<compile_context>
chip_gen: v7x
topology: tpu7x:2x2x1
jax: 0.10.2.dev20260603
libtpu: 0.0.44.dev20260713+nightly
codegen_flags: <defaults>
</compile_context>

<pallas_src>
import functools

import jax
import jax.numpy as jnp
from jax import lax
from jax.experimental import pallas as pl
from jax.experimental.pallas import tpu as pltpu
from jax.experimental.pallas import tpu_sc as plsc

VOCAB = 1000000
DIMS = 64
BATCH = 4096
N_CTX = 20

NC = 2
NS = 16
NW = NC * NS
CPW = BATCH // NW
GSZ = 128
NG = (CPW * N_CTX) // GSZ
LANES = 16
EPS = 1e-8


def _rsqrt_nr(x):
    i = lax.bitcast_convert_type(x, jnp.int32)
    i = 0x5F3759DF - (i >> 1)
    y = lax.bitcast_convert_type(i, jnp.float32)
    for _ in range(3):
        y = y * (1.5 - 0.5 * x * y * y)
    return y


def _make_kernel():
    mesh = plsc.VectorSubcoreMesh(core_axis_name="c", subcore_axis_name="s")

    @functools.partial(
        pl.kernel,
        mesh=mesh,
        compiler_params=pltpu.CompilerParams(
            needs_layout_passes=False, use_tc_tiling_on_sc=False),
        out_type=jax.ShapeDtypeStruct((NW, LANES), jnp.float32),
        scratch_types=[
            pltpu.VMEM((CPW,), jnp.int32),
            pltpu.VMEM((2 * NG, GSZ), jnp.int32),
            pltpu.VMEM((CPW, DIMS), jnp.float32),
            pltpu.VMEM((CPW,), jnp.float32),
            pltpu.VMEM((GSZ, DIMS), jnp.float32),
            pltpu.VMEM((LANES,), jnp.float32),
            pltpu.SemaphoreType.DMA,
        ],
    )
    def word2vec_loss(ctab, xtab, cidx_h, aidx_h, out_h,
                      cidx_v, aidx_v, ctr_v, cc_v, buf_v, out_v, sem):
        wid = lax.axis_index("s") * NC + lax.axis_index("c")
        lanes = lax.iota(jnp.int32, LANES)
        zeros = jnp.zeros((LANES,), jnp.float32)

        pltpu.sync_copy(cidx_h.at[wid], cidx_v)
        pltpu.sync_copy(aidx_h.at[wid], aidx_v)
        pltpu.async_copy(ctab.at[cidx_v], ctr_v, sem).wait()

        def cc_sub(sub, carry):
            cid = lanes + sub * LANES

            def kblk(kb, acc):
                for j in range(8):
                    col = lanes * 0 + (kb * 8 + j)
                    ck = plsc.load_gather(ctr_v, [cid, col])
                    acc = acc + ck * ck
                return acc

            acc = lax.fori_loop(0, 8, kblk, zeros)
            cc_v[pl.ds(sub * LANES, LANES)] = acc
            return carry

        lax.fori_loop(0, CPW // LANES, cc_sub, 0)

        def group(g, acc_g):
            pltpu.async_copy(xtab.at[aidx_v.at[g]], buf_v, sem).wait()
            base = lax.rem(g, NG) * GSZ
            gv = lanes * 0 + g

            def sub_body(sub, acc):
                rid = lanes + sub * LANES
                cid = (base + rid) // N_CTX
                ccr = plsc.load_gather(cc_v, [cid])

                def kblk(kb, carry):
                    cx, xx = carry
                    for j in range(8):
                        col = lanes * 0 + (kb * 8 + j)
                        xk = plsc.load_gather(buf_v, [rid, col])
                        ck = plsc.load_gather(ctr_v, [cid, col])
                        cx = cx + ck * xk
                        xx = xx + xk * xk
                    return (cx, xx)

                cx, xx = lax.fori_loop(0, 8, kblk, (zeros, zeros))
                d2 = xx * ccr
                nrm = d2 * _rsqrt_nr(jnp.maximum(d2, 1e-30))
                cos = cx / jnp.maximum(nrm, EPS)
                contrib = jnp.where(gv < NG, 1.0 - cos, jnp.maximum(cos, 0.0))
                return acc + contrib

            return lax.fori_loop(0, GSZ // LANES, sub_body, acc_g)

        acc = lax.fori_loop(0, 2 * NG, group, zeros)
        out_v[...] = acc * (1.0 / (BATCH * N_CTX))
        pltpu.sync_copy(out_v, out_h.at[wid])

    return word2vec_loss


_KERNEL = _make_kernel()


@jax.jit
def kernel(centers_table, contexts_table, center_idxs, context_idxs, neg_idxs):
    cidx = center_idxs.astype(jnp.int32).reshape(NW, CPW)
    xid = context_idxs.astype(jnp.int32).reshape(NW, NG, GSZ)
    nid = neg_idxs.astype(jnp.int32).reshape(NW, NG, GSZ)
    aidx = jnp.concatenate([xid, nid], axis=1)
    partials = _KERNEL(centers_table, contexts_table, cidx, aidx)
    return jnp.sum(partials)

# --- scband reference (transcript-rebuilt; emitter-appended) ---
"""Pipeline reference for scband-custom-word2-vec-76914274337034 (READ-ONLY COPY).

The authoritative reference and input builder live on the scoring server;
editing this copy changes nothing except your own understanding.
"""

import jax, jax.numpy as jnp
import numpy as np

VOCAB = 1000000
DIMS = 64
BATCH = 4096
N_CTX = 20


def _cos_sim(a, b, eps=1e-8):
    an = jnp.sqrt(jnp.sum(a * a, axis=1))
    bn = jnp.sqrt(jnp.sum(b * b, axis=1))
    return jnp.sum(a * b, axis=1) / jnp.maximum(an * bn, eps)


def setup_inputs(seed: int = 0) -> dict:
    key = jax.random.key(seed)
    k1, k2, k3, k4, k5 = jax.random.split(key, 5)
    centers_table = jax.random.normal(k1, (VOCAB, DIMS), dtype=jnp.float32)
    contexts_table = jax.random.normal(k2, (VOCAB, DIMS), dtype=jnp.float32)
    center_idxs = jax.random.randint(k3, (BATCH,), 0, VOCAB, dtype=jnp.int64 if jax.config.jax_enable_x64 else jnp.int32)
    context_idxs = jax.random.randint(k4, (BATCH, N_CTX), 0, VOCAB, dtype=jnp.int64 if jax.config.jax_enable_x64 else jnp.int32)
    neg_idxs = jax.random.randint(k5, (BATCH * N_CTX,), 0, VOCAB, dtype=jnp.int64 if jax.config.jax_enable_x64 else jnp.int32)
    return {
        "centers_table": centers_table,
        "contexts_table": contexts_table,
        "center_idxs": center_idxs,
        "context_idxs": context_idxs,
        "neg_idxs": neg_idxs,
    }


def reference(centers_table, contexts_table, center_idxs, context_idxs, neg_idxs):
    # gather center embeddings and repeat_interleave over contexts
    centers = jnp.take(centers_table, center_idxs, axis=0)          # [B, d]
    centers = jnp.repeat(centers, N_CTX, axis=0)                    # [B*N_CTX, d]
    # gather context embeddings and flatten
    contexts = jnp.take(contexts_table, context_idxs.reshape(-1), axis=0)  # [B*N_CTX, d]
    # positive cosine embedding loss (target = +1): mean(1 - cos)
    ploss = jnp.mean(1.0 - _cos_sim(centers, contexts))
    # negative samples
    negatives = jnp.take(contexts_table, neg_idxs, axis=0)          # [B*N_CTX, d]
    # negative cosine embedding loss (target = -1, margin = 0): mean(max(0, cos))
    nloss = jnp.mean(jnp.maximum(_cos_sim(centers, negatives), 0.0))
    return ploss + nloss

if __name__ == "__main__":
    import jax
    _d = setup_inputs()
    print(jax.jit(kernel)(*tuple(_d.values())))

</pallas_src>

<mosaic_0001>
#map = affine_map<(d0, d1) -> (0, 0)>
#map1 = affine_map<(d0, d1) -> (0, 0, 0)>
module attributes {stable_mosaic.version = 14 : i64} {
  func.func @word2vec_loss(%arg0: i32, %arg1: i32, %arg2: memref<1000000x64xf32, #tpu.memory_space<hbm>>, %arg3: memref<1000000x64xf32, #tpu.memory_space<hbm>>, %arg4: memref<32x128xi32, #tpu.memory_space<hbm>>, %arg5: memref<32x40x128xi32, #tpu.memory_space<hbm>>, %arg6: memref<32x16xf32, #tpu.memory_space<hbm>>, %arg7: memref<128xi32, #tpu.memory_space<vmem>>, %arg8: memref<40x128xi32, #tpu.memory_space<vmem>>, %arg9: memref<128x64xf32, #tpu.memory_space<vmem>>, %arg10: memref<128xf32, #tpu.memory_space<vmem>>, %arg11: memref<128x64xf32, #tpu.memory_space<vmem>>, %arg12: memref<16xf32, #tpu.memory_space<vmem>>, %arg13: memref<!tpu.dma_semaphore, #tpu.memory_space<semaphore_mem>>) attributes {dimension_semantics = [#tpu.dimension_semantics<core_parallel>, #tpu.dimension_semantics<subcore_parallel>], iteration_bounds = array<i64: 2, 16>, scalar_prefetch = 0 : i64, scratch_operands = 7 : i64, tpu.core_type = #tpu.core_type<sc_vector_subcore>, window_params = [{transform_indices = #map}, {transform_indices = #map}, {transform_indices = #map}, {transform_indices = #map1}, {transform_indices = #map}]} {
    %mul3A = arith.constant 2 : i32
    %mul3A_0 = arith.muli %arg1, %mul3A : i32
    %add3A = arith.addi %mul3A_0, %arg0 : i32
    %iota3A = tpu.iota {dimensions = array<i32: 0>} : vector<16xi32>
    %broadcast_in_dim3A = arith.constant 0.000000e+00 : f32
    %broadcast_in_dim3A_1 = vector.broadcast %broadcast_in_dim3A : f32 to vector<16xf32>
    "tpu.region"() ({
      %run_scoped3A = tpu.sem_alloc : memref<!tpu.dma_semaphore, #tpu.memory_space<semaphore_mem>>
      %dma_start3A_21 = arith.constant 0 : i32
      %dma_start3A_22 = tpu.memref_slice %arg4[%add3A, %dma_start3A_21] : memref<32x128xi32, #tpu.memory_space<hbm>> -> memref<1x128xi32, #tpu.memory_space<hbm>>
      %dma_start3A_23 = tpu.memref_squeeze %dma_start3A_22 : memref<1x128xi32, #tpu.memory_space<hbm>> -> memref<128xi32, #tpu.memory_space<hbm>>
      %dma_start3A_24 = arith.constant 0 : i32
      %dma_start3A_25 = tpu.memref_slice %arg4[%add3A, %dma_start3A_24] : memref<32x128xi32, #tpu.memory_space<hbm>> -> memref<1x128xi32, #tpu.memory_space<hbm>>
      %dma_start3A_26 = tpu.memref_squeeze %dma_start3A_25 : memref<1x128xi32, #tpu.memory_space<hbm>> -> memref<128xi32, #tpu.memory_space<hbm>>
      tpu.enqueue_dma source(%dma_start3A_26 : memref<128xi32, #tpu.memory_space<hbm>>) target(%arg7 : memref<128xi32, #tpu.memory_space<vmem>>) target_semaphore(%run_scoped3A : memref<!tpu.dma_semaphore, #tpu.memory_space<semaphore_mem>>)
      %dma_wait3A_27 = arith.constant 0 : i32
      %dma_wait3A_28 = tpu.memref_slice %arg4[%add3A, %dma_wait3A_27] : memref<32x128xi32, #tpu.memory_space<hbm>> -> memref<1x128xi32, #tpu.memory_space<hbm>>
      %dma_wait3A_29 = tpu.memref_squeeze %dma_wait3A_28 : memref<1x128xi32, #tpu.memory_space<hbm>> -> memref<128xi32, #tpu.memory_space<hbm>>
      %dma_wait3A_30 = arith.constant 0 : i32
      %dma_wait3A_31 = tpu.memref_slice %arg4[%add3A, %dma_wait3A_30] : memref<32x128xi32, #tpu.memory_space<hbm>> -> memref<1x128xi32, #tpu.memory_space<hbm>>
      %dma_wait3A_32 = tpu.memref_squeeze %dma_wait3A_31 : memref<1x128xi32, #tpu.memory_space<hbm>> -> memref<128xi32, #tpu.memory_space<hbm>>
      tpu.wait_dma2 semaphore(%run_scoped3A : memref<!tpu.dma_semaphore, #tpu.memory_space<semaphore_mem>>) src(%dma_wait3A_32 : memref<128xi32, #tpu.memory_space<hbm>>) dst(%arg7 : memref<128xi32, #tpu.memory_space<vmem>>)
      tpu.yield
    }) : () -> ()
    "tpu.region"() ({
      %run_scoped3A = tpu.sem_alloc : memref<!tpu.dma_semaphore, #tpu.memory_space<semaphore_mem>>
      %dma_start3A_21 = arith.constant 0 : i32
      %dma_start3A_22 = arith.constant 0 : i32
      %dma_start3A_23 = tpu.memref_slice %arg5[%add3A, %dma_start3A_21, %dma_start3A_22] : memref<32x40x128xi32, #tpu.memory_space<hbm>> -> memref<1x40x128xi32, #tpu.memory_space<hbm>>
      %dma_start3A_24 = tpu.memref_squeeze %dma_start3A_23 : memref<1x40x128xi32, #tpu.memory_space<hbm>> -> memref<40x128xi32, #tpu.memory_space<hbm>>
      %dma_start3A_25 = arith.constant 0 : i32
      %dma_start3A_26 = arith.constant 0 : i32
      %dma_start3A_27 = tpu.memref_slice %arg5[%add3A, %dma_start3A_25, %dma_start3A_26] : memref<32x40x128xi32, #tpu.memory_space<hbm>> -> memref<1x40x128xi32, #tpu.memory_space<hbm>>
      %dma_start3A_28 = tpu.memref_squeeze %dma_start3A_27 : memref<1x40x128xi32, #tpu.memory_space<hbm>> -> memref<40x128xi32, #tpu.memory_space<hbm>>
      tpu.enqueue_dma source(%dma_start3A_28 : memref<40x128xi32, #tpu.memory_space<hbm>>) target(%arg8 : memref<40x128xi32, #tpu.memory_space<vmem>>) target_semaphore(%run_scoped3A : memref<!tpu.dma_semaphore, #tpu.memory_space<semaphore_mem>>)
      %dma_wait3A_29 = arith.constant 0 : i32
      %dma_wait3A_30 = arith.constant 0 : i32
      %dma_wait3A_31 = tpu.memref_slice %arg5[%add3A, %dma_wait3A_29, %dma_wait3A_30] : memref<32x40x128xi32, #tpu.memory_space<hbm>> -> memref<1x40x128xi32, #tpu.memory_space<hbm>>
      %dma_wait3A_32 = tpu.memref_squeeze %dma_wait3A_31 : memref<1x40x128xi32, #tpu.memory_space<hbm>> -> memref<40x128xi32, #tpu.memory_space<hbm>>
      %dma_wait3A_33 = arith.constant 0 : i32
      %dma_wait3A_34 = arith.constant 0 : i32
      %dma_wait3A_35 = tpu.memref_slice %arg5[%add3A, %dma_wait3A_33, %dma_wait3A_34] : memref<32x40x128xi32, #tpu.memory_space<hbm>> -> memref<1x40x128xi32, #tpu.memory_space<hbm>>
      %dma_wait3A_36 = tpu.memref_squeeze %dma_wait3A_35 : memref<1x40x128xi32, #tpu.memory_space<hbm>> -> memref<40x128xi32, #tpu.memory_space<hbm>>
      tpu.wait_dma2 semaphore(%run_scoped3A : memref<!tpu.dma_semaphore, #tpu.memory_space<semaphore_mem>>) src(%dma_wait3A_36 : memref<40x128xi32, #tpu.memory_space<hbm>>) dst(%arg8 : memref<40x128xi32, #tpu.memory_space<vmem>>)
      tpu.yield
    }) : () -> ()
    %dma_start3A = arith.constant 0 : i32
    %dma_start3A_2 = arith.constant 0 : i32
    %dma_start3A_3 = tpu.memref_slice %arg2[%dma_start3A, %dma_start3A_2] : memref<1000000x64xf32, #tpu.memory_space<hbm>> -> memref<1000000x64xf32, #tpu.memory_space<hbm>>
    tpu.enqueue_indirect_dma source(%dma_start3A_3 : memref<1000000x64xf32, #tpu.memory_space<hbm>>) target(%arg9 : memref<128x64xf32, #tpu.memory_space<vmem>>) offsets(%arg7 : memref<128xi32, #tpu.memory_space<vmem>>) semaphore(%arg13 : memref<!tpu.dma_semaphore, #tpu.memory_space<semaphore_mem>>)
    %dma_wait3A = arith.constant 0 : i32
    %dma_wait3A_4 = arith.constant 0 : i32
    %dma_wait3A_5 = tpu.memref_slice %arg2[%dma_wait3A, %dma_wait3A_4] : memref<1000000x64xf32, #tpu.memory_space<hbm>> -> memref<1000000x64xf32, #tpu.memory_space<hbm>>
    tpu.wait_indirect_dma semaphore(%arg13 : memref<!tpu.dma_semaphore, #tpu.memory_space<semaphore_mem>>) src(%dma_wait3A_5 : memref<1000000x64xf32, #tpu.memory_space<hbm>>) dst(%arg9 : memref<128x64xf32, #tpu.memory_space<vmem>>)
    %scan3A = arith.constant 0 : i32
    %scan3A_6 = arith.constant 0 : i32
    %scan3A_7 = arith.constant 8 : i32
    %scan3A_8 = arith.addi %scan3A_6, %scan3A_7 : i32
    %scan3A_9 = arith.constant 1 : i32
    scf.for %scan3A_21 = %scan3A_6 to %scan3A_8 step %scan3A_9  : i32 {
      %mul3A_22 = arith.constant 16 : i32
      %mul3A_23 = arith.muli %scan3A_21, %mul3A_22 : i32
      %add3A_24 = vector.broadcast %mul3A_23 : i32 to vector<16xi32>
      %add3A_25 = arith.addi %iota3A, %add3A_24 : vector<16xi32>
      %scan3A_26 = arith.constant 0 : i32
      %scan3A_27 = arith.constant 8 : i32
      %scan3A_28 = arith.addi %scan3A_26, %scan3A_27 : i32
      %scan3A_29 = arith.constant 1 : i32
      %scan3A_30 = scf.for %scan3A_36 = %scan3A_26 to %scan3A_28 step %scan3A_29 iter_args(%scan3A_37 = %broadcast_in_dim3A_1) -> (vector<16xf32>)  : i32 {
        %mul3A_38 = arith.constant 0 : i32
        %mul3A_39 = vector.broadcast %mul3A_38 : i32 to vector<16xi32>
        %mul3A_40 = arith.muli %iota3A, %mul3A_39 : vector<16xi32>
        %mul3A_41 = arith.constant 8 : i32
        %mul3A_42 = arith.muli %scan3A_36, %mul3A_41 : i32
        %add3A_43 = arith.constant 0 : i32
        %add3A_44 = arith.addi %mul3A_42, %add3A_43 : i32
        %add3A_45 = vector.broadcast %add3A_44 : i32 to vector<16xi32>
        %add3A_46 = arith.addi %mul3A_40, %add3A_45 : vector<16xi32>
        %gather3A = tpu.vector_load_idx %arg9[%add3A_25, %add3A_46] : memref<128x64xf32, #tpu.memory_space<vmem>>[vector<16xi32>, vector<16xi32>], vector<16xf32>,
        %mul3A_47 = arith.mulf %gather3A, %gather3A : vector<16xf32>
        %add3A_48 = arith.addf %scan3A_37, %mul3A_47 : vector<16xf32>
        %mul3A_49 = arith.constant 0 : i32
        %mul3A_50 = vector.broadcast %mul3A_49 : i32 to vector<16xi32>
        %mul3A_51 = arith.muli %iota3A, %mul3A_50 : vector<16xi32>
        %mul3A_52 = arith.constant 8 : i32
        %mul3A_53 = arith.muli %scan3A_36, %mul3A_52 : i32
        %add3A_54 = arith.constant 1 : i32
        %add3A_55 = arith.addi %mul3A_53, %add3A_54 : i32
        %add3A_56 = vector.broadcast %add3A_55 : i32 to vector<16xi32>
        %add3A_57 = arith.addi %mul3A_51, %add3A_56 : vector<16xi32>
        %gather3A_58 = tpu.vector_load_idx %arg9[%add3A_25, %add3A_57] : memref<128x64xf32, #tpu.memory_space<vmem>>[vector<16xi32>, vector<16xi32>], vector<16xf32>,
        %mul3A_59 = arith.mulf %gather3A_58, %gather3A_58 : vector<16xf32>
        %add3A_60 = arith.addf %add3A_48, %mul3A_59 : vector<16xf32>
        %mul3A_61 = arith.constant 0 : i32
        %mul3A_62 = vector.broadcast %mul3A_61 : i32 to vector<16xi32>
        %mul3A_63 = arith.muli %iota3A, %mul3A_62 : vector<16xi32>
        %mul3A_64 = arith.constant 8 : i32
        %mul3A_65 = arith.muli %scan3A_36, %mul3A_64 : i32
        %add3A_66 = arith.constant 2 : i32
        %add3A_67 = arith.addi %mul3A_65, %add3A_66 : i32
        %add3A_68 = vector.broadcast %add3A_67 : i32 to vector<16xi32>
        %add3A_69 = arith.addi %mul3A_63, %add3A_68 : vector<16xi32>
        %gather3A_70 = tpu.vector_load_idx %arg9[%add3A_25, %add3A_69] : memref<128x64xf32, #tpu.memory_space<vmem>>[vector<16xi32>, vector<16xi32>], vector<16xf32>,
        %mul3A_71 = arith.mulf %gather3A_70, %gather3A_70 : vector<16xf32>
        %add3A_72 = arith.addf %add3A_60, %mul3A_71 : vector<16xf32>
        %mul3A_73 = arith.constant 0 : i32
        %mul3A_74 = vector.broadcast %mul3A_73 : i32 to vector<16xi32>
        %mul3A_75 = arith.muli %iota3A, %mul3A_74 : vector<16xi32>
        %mul3A_76 = arith.constant 8 : i32
        %mul3A_77 = arith.muli %scan3A_36, %mul3A_76 : i32
        %add3A_78 = arith.constant 3 : i32
        %add3A_79 = arith.addi %mul3A_77, %add3A_78 : i32
        %add3A_80 = vector.broadcast %add3A_79 : i32 to vector<16xi32>
        %add3A_81 = arith.addi %mul3A_75, %add3A_80 : vector<16xi32>
        %gather3A_82 = tpu.vector_load_idx %arg9[%add3A_25, %add3A_81] : memref<128x64xf32, #tpu.memory_space<vmem>>[vector<16xi32>, vector<16xi32>], vector<16xf32>,
        %mul3A_83 = arith.mulf %gather3A_82, %gather3A_82 : vector<16xf32>
        %add3A_84 = arith.addf %add3A_72, %mul3A_83 : vector<16xf32>
        %mul3A_85 = arith.constant 0 : i32
        %mul3A_86 = vector.broadcast %mul3A_85 : i32 to vector<16xi32>
        %mul3A_87 = arith.muli %iota3A, %mul3A_86 : vector<16xi32>
        %mul3A_88 = arith.constant 8 : i32
        %mul3A_89 = arith.muli %scan3A_36, %mul3A_88 : i32
        %add3A_90 = arith.constant 4 : i32
        %add3A_91 = arith.addi %mul3A_89, %add3A_90 : i32
        %add3A_92 = vector.broadcast %add3A_91 : i32 to vector<16xi32>
        %add3A_93 = arith.addi %mul3A_87, %add3A_92 : vector<16xi32>
        %gather3A_94 = tpu.vector_load_idx %arg9[%add3A_25, %add3A_93] : memref<128x64xf32, #tpu.memory_space<vmem>>[vector<16xi32>, vector<16xi32>], vector<16xf32>,
        %mul3A_95 = arith.mulf %gather3A_94, %gather3A_94 : vector<16xf32>
        %add3A_96 = arith.addf %add3A_84, %mul3A_95 : vector<16xf32>
        %mul3A_97 = arith.constant 0 : i32
        %mul3A_98 = vector.broadcast %mul3A_97 : i32 to vector<16xi32>
        %mul3A_99 = arith.muli %iota3A, %mul3A_98 : vector<16xi32>
        %mul3A_100 = arith.constant 8 : i32
        %mul3A_101 = arith.muli %scan3A_36, %mul3A_100 : i32
        %add3A_102 = arith.constant 5 : i32
        %add3A_103 = arith.addi %mul3A_101, %add3A_102 : i32
        %add3A_104 = vector.broadcast %add3A_103 : i32 to vector<16xi32>
        %add3A_105 = arith.addi %mul3A_99, %add3A_104 : vector<16xi32>
        %gather3A_106 = tpu.vector_load_idx %arg9[%add3A_25, %add3A_105] : memref<128x64xf32, #tpu.memory_space<vmem>>[vector<16xi32>, vector<16xi32>], vector<16xf32>,
        %mul3A_107 = arith.mulf %gather3A_106, %gather3A_106 : vector<16xf32>
        %add3A_108 = arith.addf %add3A_96, %mul3A_107 : vector<16xf32>
        %mul3A_109 = arith.constant 0 : i32
        %mul3A_110 = vector.broadcast %mul3A_109 : i32 to vector<16xi32>
        %mul3A_111 = arith.muli %iota3A, %mul3A_110 : vector<16xi32>
        %mul3A_112 = arith.constant 8 : i32
        %mul3A_113 = arith.muli %scan3A_36, %mul3A_112 : i32
        %add3A_114 = arith.constant 6 : i32
        %add3A_115 = arith.addi %mul3A_113, %add3A_114 : i32
        %add3A_116 = vector.broadcast %add3A_115 : i32 to vector<16xi32>
        %add3A_117 = arith.addi %mul3A_111, %add3A_116 : vector<16xi32>
        %gather3A_118 = tpu.vector_load_idx %arg9[%add3A_25, %add3A_117] : memref<128x64xf32, #tpu.memory_space<vmem>>[vector<16xi32>, vector<16xi32>], vector<16xf32>,
        %mul3A_119 = arith.mulf %gather3A_118, %gather3A_118 : vector<16xf32>
        %add3A_120 = arith.addf %add3A_108, %mul3A_119 : vector<16xf32>
        %mul3A_121 = arith.constant 0 : i32
        %mul3A_122 = vector.broadcast %mul3A_121 : i32 to vector<16xi32>
        %mul3A_123 = arith.muli %iota3A, %mul3A_122 : vector<16xi32>
        %mul3A_124 = arith.constant 8 : i32
        %mul3A_125 = arith.muli %scan3A_36, %mul3A_124 : i32
        %add3A_126 = arith.constant 7 : i32
        %add3A_127 = arith.addi %mul3A_125, %add3A_126 : i32
        %add3A_128 = vector.broadcast %add3A_127 : i32 to vector<16xi32>
        %add3A_129 = arith.addi %mul3A_123, %add3A_128 : vector<16xi32>
        %gather3A_130 = tpu.vector_load_idx %arg9[%add3A_25, %add3A_129] : memref<128x64xf32, #tpu.memory_space<vmem>>[vector<16xi32>, vector<16xi32>], vector<16xf32>,
        %mul3A_131 = arith.mulf %gather3A_130, %gather3A_130 : vector<16xf32>
        %add3A_132 = arith.addf %add3A_120, %mul3A_131 : vector<16xf32>
        scf.yield %add3A_132 : vector<16xf32>
      }
      %scan3A_31 = arith.constant 8 : i32
      %mul3A_32 = arith.constant 16 : i32
      %mul3A_33 = arith.muli %scan3A_21, %mul3A_32 : i32
      %swap3A_34 = arith.index_cast %mul3A_33 : i32 to index
      %swap3A_35 = tpu.vector_load %arg10[%swap3A_34] {strides = array<i32>} : memref<128xf32, #tpu.memory_space<vmem>>, vector<16xf32>,
      tpu.vector_store %arg10[%swap3A_34], %scan3A_30 {strides = array<i32>} : memref<128xf32, #tpu.memory_space<vmem>>, vector<16xf32>,
    }
    %scan3A_10 = arith.constant 8 : i32
    %scan3A_11 = arith.constant 0 : i32
    %scan3A_12 = arith.constant 40 : i32
    %scan3A_13 = arith.addi %scan3A_11, %scan3A_12 : i32
    %scan3A_14 = arith.constant 1 : i32
    %scan3A_15 = scf.for %scan3A_21 = %scan3A_11 to %scan3A_13 step %scan3A_14 iter_args(%scan3A_22 = %broadcast_in_dim3A_1) -> (vector<16xf32>)  : i32 {
      %dma_start3A_23 = arith.constant 0 : i32
      %dma_start3A_24 = tpu.memref_slice %arg8[%scan3A_21, %dma_start3A_23] : memref<40x128xi32, #tpu.memory_space<vmem>> -> memref<1x128xi32, #tpu.memory_space<vmem>>
      %dma_start3A_25 = tpu.memref_squeeze %dma_start3A_24 : memref<1x128xi32, #tpu.memory_space<vmem>> -> memref<128xi32, #tpu.memory_space<vmem>>
      %dma_start3A_26 = arith.constant 0 : i32
      %dma_start3A_27 = arith.constant 0 : i32
      %dma_start3A_28 = tpu.memref_slice %arg3[%dma_start3A_26, %dma_start3A_27] : memref<1000000x64xf32, #tpu.memory_space<hbm>> -> memref<1000000x64xf32, #tpu.memory_space<hbm>>
      tpu.enqueue_indirect_dma source(%dma_start3A_28 : memref<1000000x64xf32, #tpu.memory_space<hbm>>) target(%arg11 : memref<128x64xf32, #tpu.memory_space<vmem>>) offsets(%dma_start3A_25 : memref<128xi32, #tpu.memory_space<vmem>>) semaphore(%arg13 : memref<!tpu.dma_semaphore, #tpu.memory_space<semaphore_mem>>)
      %dma_wait3A_29 = arith.constant 0 : i32
      %dma_wait3A_30 = tpu.memref_slice %arg8[%scan3A_21, %dma_wait3A_29] : memref<40x128xi32, #tpu.memory_space<vmem>> -> memref<1x128xi32, #tpu.memory_space<vmem>>
      %dma_wait3A_31 = tpu.memref_squeeze %dma_wait3A_30 : memref<1x128xi32, #tpu.memory_space<vmem>> -> memref<128xi32, #tpu.memory_space<vmem>>
      %dma_wait3A_32 = arith.constant 0 : i32
      %dma_wait3A_33 = arith.constant 0 : i32
      %dma_wait3A_34 = tpu.memref_slice %arg3[%dma_wait3A_32, %dma_wait3A_33] : memref<1000000x64xf32, #tpu.memory_space<hbm>> -> memref<1000000x64xf32, #tpu.memory_space<hbm>>
      tpu.wait_indirect_dma semaphore(%arg13 : memref<!tpu.dma_semaphore, #tpu.memory_space<semaphore_mem>>) src(%dma_wait3A_34 : memref<1000000x64xf32, #tpu.memory_space<hbm>>) dst(%arg11 : memref<128x64xf32, #tpu.memory_space<vmem>>)
      %rem3A = arith.constant 20 : i32
      %rem3A_35 = arith.remsi %scan3A_21, %rem3A : i32
      %mul3A_36 = arith.constant 128 : i32
      %mul3A_37 = arith.muli %rem3A_35, %mul3A_36 : i32
      %mul3A_38 = arith.constant 0 : i32
      %mul3A_39 = vector.broadcast %mul3A_38 : i32 to vector<16xi32>
      %mul3A_40 = arith.muli %iota3A, %mul3A_39 : vector<16xi32>
      %add3A_41 = vector.broadcast %scan3A_21 : i32 to vector<16xi32>
      %add3A_42 = arith.addi %mul3A_40, %add3A_41 : vector<16xi32>
      %scan3A_43 = arith.constant 0 : i32
      %scan3A_44 = arith.constant 8 : i32
      %scan3A_45 = arith.addi %scan3A_43, %scan3A_44 : i32
      %scan3A_46 = arith.constant 1 : i32
      %scan3A_47 = scf.for %scan3A_49 = %scan3A_43 to %scan3A_45 step %scan3A_46 iter_args(%scan3A_50 = %scan3A_22) -> (vector<16xf32>)  : i32 {
        %mul3A_51 = arith.constant 16 : i32
        %mul3A_52 = arith.muli %scan3A_49, %mul3A_51 : i32
        %add3A_53 = vector.broadcast %mul3A_52 : i32 to vector<16xi32>
        %add3A_54 = arith.addi %iota3A, %add3A_53 : vector<16xi32>
        %add3A_55 = vector.broadcast %mul3A_37 : i32 to vector<16xi32>
        %add3A_56 = arith.addi %add3A_55, %add3A_54 : vector<16xi32>
        %jit3A = arith.constant 20 : i32
        %div3A = vector.broadcast %jit3A : i32 to vector<16xi32>
        %div3A_57 = arith.divsi %add3A_56, %div3A : vector<16xi32>
        %sign3A = arith.constant 0 : i32
        %sign3A_58 = vector.broadcast %sign3A : i32 to vector<16xi32>
        %sign3A_59 = arith.cmpi sgt, %add3A_56, %sign3A_58 : vector<16xi32>
        %sign3A_60 = arith.extui %sign3A_59 : vector<16xi1> to vector<16xi32>
        %sign3A_61 = arith.constant 0 : i32
        %sign3A_62 = vector.broadcast %sign3A_61 : i32 to vector<16xi32>
        %sign3A_63 = arith.cmpi slt, %add3A_56, %sign3A_62 : vector<16xi32>
        %sign3A_64 = arith.extui %sign3A_63 : vector<16xi1> to vector<16xi32>
        %sign3A_65 = arith.subi %sign3A_60, %sign3A_64 : vector<16xi32>
        %sign3A_66 = arith.constant 0 : i32
        %sign3A_67 = arith.cmpi sgt, %jit3A, %sign3A_66 : i32
        %sign3A_68 = arith.extui %sign3A_67 : i1 to i32
        %sign3A_69 = arith.constant 0 : i32
        %sign3A_70 = arith.cmpi slt, %jit3A, %sign3A_69 : i32
        %sign3A_71 = arith.extui %sign3A_70 : i1 to i32
        %sign3A_72 = arith.subi %sign3A_68, %sign3A_71 : i32
        %ne3A = vector.broadcast %sign3A_72 : i32 to vector<16xi32>
        %ne3A_73 = arith.cmpi ne, %sign3A_65, %ne3A : vector<16xi32>
        %rem3A_74 = vector.broadcast %jit3A : i32 to vector<16xi32>
        %rem3A_75 = arith.remsi %add3A_56, %rem3A_74 : vector<16xi32>
        %ne3A_76 = arith.constant 0 : i32
        %ne3A_77 = vector.broadcast %ne3A_76 : i32 to vector<16xi32>
        %ne3A_78 = arith.cmpi ne, %rem3A_75, %ne3A_77 : vector<16xi32>
        %and3A = arith.andi %ne3A_73, %ne3A_78 : vector<16xi1>
        %sub3A = arith.constant 1 : i32
        %sub3A_79 = vector.broadcast %sub3A : i32 to vector<16xi32>
        %sub3A_80 = arith.subi %div3A_57, %sub3A_79 : vector<16xi32>
        %select_n3A = arith.select %and3A, %sub3A_80, %div3A_57 : vector<16xi1>, vector<16xi32>
        %gather3A = tpu.vector_load_idx %arg10[%select_n3A] : memref<128xf32, #tpu.memory_space<vmem>>[vector<16xi32>], vector<16xf32>,
        %scan3A_81 = arith.constant 0 : i32
        %scan3A_82 = arith.constant 8 : i32
        %scan3A_83 = arith.addi %scan3A_81, %scan3A_82 : i32
        %scan3A_84 = arith.constant 1 : i32
        %scan3A_85:2 = scf.for %scan3A_138 = %scan3A_81 to %scan3A_83 step %scan3A_84 iter_args(%scan3A_139 = %broadcast_in_dim3A_1, %scan3A_140 = %broadcast_in_dim3A_1) -> (vector<16xf32>, vector<16xf32>)  : i32 {
          %mul3A_141 = arith.constant 0 : i32
          %mul3A_142 = vector.broadcast %mul3A_141 : i32 to vector<16xi32>
          %mul3A_143 = arith.muli %iota3A, %mul3A_142 : vector<16xi32>
          %mul3A_144 = arith.constant 8 : i32
          %mul3A_145 = arith.muli %scan3A_138, %mul3A_144 : i32
          %add3A_146 = arith.constant 0 : i32
          %add3A_147 = arith.addi %mul3A_145, %add3A_146 : i32
          %add3A_148 = vector.broadcast %add3A_147 : i32 to vector<16xi32>
          %add3A_149 = arith.addi %mul3A_143, %add3A_148 : vector<16xi32>
          %gather3A_150 = tpu.vector_load_idx %arg11[%add3A_54, %add3A_149] : memref<128x64xf32, #tpu.memory_space<vmem>>[vector<16xi32>, vector<16xi32>], vector<16xf32>,
          %gather3A_151 = tpu.vector_load_idx %arg9[%select_n3A, %add3A_149] : memref<128x64xf32, #tpu.memory_space<vmem>>[vector<16xi32>, vector<16xi32>], vector<16xf32>,
          %mul3A_152 = arith.mulf %gather3A_151, %gather3A_150 : vector<16xf32>
          %add3A_153 = arith.addf %scan3A_139, %mul3A_152 : vector<16xf32>
          %mul3A_154 = arith.mulf %gather3A_150, %gather3A_150 : vector<16xf32>
          %add3A_155 = arith.addf %scan3A_140, %mul3A_154 : vector<16xf32>
          %mul3A_156 = arith.constant 0 : i32
          %mul3A_157 = vector.broadcast %mul3A_156 : i32 to vector<16xi32>
          %mul3A_158 = arith.muli %iota3A, %mul3A_157 : vector<16xi32>
          %mul3A_159 = arith.constant 8 : i32
          %mul3A_160 = arith.muli %scan3A_138, %mul3A_159 : i32
          %add3A_161 = arith.constant 1 : i32
          %add3A_162 = arith.addi %mul3A_160, %add3A_161 : i32
          %add3A_163 = vector.broadcast %add3A_162 : i32 to vector<16xi32>
          %add3A_164 = arith.addi %mul3A_158, %add3A_163 : vector<16xi32>
          %gather3A_165 = tpu.vector_load_idx %arg11[%add3A_54, %add3A_164] : memref<128x64xf32, #tpu.memory_space<vmem>>[vector<16xi32>, vector<16xi32>], vector<16xf32>,
          %gather3A_166 = tpu.vector_load_idx %arg9[%select_n3A, %add3A_164] : memref<128x64xf32, #tpu.memory_space<vmem>>[vector<16xi32>, vector<16xi32>], vector<16xf32>,
          %mul3A_167 = arith.mulf %gather3A_166, %gather3A_165 : vector<16xf32>
          %add3A_168 = arith.addf %add3A_153, %mul3A_167 : vector<16xf32>
          %mul3A_169 = arith.mulf %gather3A_165, %gather3A_165 : vector<16xf32>
          %add3A_170 = arith.addf %add3A_155, %mul3A_169 : vector<16xf32>
          %mul3A_171 = arith.constant 0 : i32
          %mul3A_172 = vector.broadcast %mul3A_171 : i32 to vector<16xi32>
          %mul3A_173 = arith.muli %iota3A, %mul3A_172 : vector<16xi32>
          %mul3A_174 = arith.constant 8 : i32
          %mul3A_175 = arith.muli %scan3A_138, %mul3A_174 : i32
          %add3A_176 = arith.constant 2 : i32
          %add3A_177 = arith.addi %mul3A_175, %add3A_176 : i32
          %add3A_178 = vector.broadcast %add3A_177 : i32 to vector<16xi32>
          %add3A_179 = arith.addi %mul3A_173, %add3A_178 : vector<16xi32>
          %gather3A_180 = tpu.vector_load_idx %arg11[%add3A_54, %add3A_179] : memref<128x64xf32, #tpu.memory_space<vmem>>[vector<16xi32>, vector<16xi32>], vector<16xf32>,
          %gather3A_181 = tpu.vector_load_idx %arg9[%select_n3A, %add3A_179] : memref<128x64xf32, #tpu.memory_space<vmem>>[vector<16xi32>, vector<16xi32>], vector<16xf32>,
          %mul3A_182 = arith.mulf %gather3A_181, %gather3A_180 : vector<16xf32>
          %add3A_183 = arith.addf %add3A_168, %mul3A_182 : vector<16xf32>
          %mul3A_184 = arith.mulf %gather3A_180, %gather3A_180 : vector<16xf32>
          %add3A_185 = arith.addf %add3A_170, %mul3A_184 : vector<16xf32>
          %mul3A_186 = arith.constant 0 : i32
          %mul3A_187 = vector.broadcast %mul3A_186 : i32 to vector<16xi32>
          %mul3A_188 = arith.muli %iota3A, %mul3A_187 : vector<16xi32>
          %mul3A_189 = arith.constant 8 : i32
          %mul3A_190 = arith.muli %scan3A_138, %mul3A_189 : i32
          %add3A_191 = arith.constant 3 : i32
          %add3A_192 = arith.addi %mul3A_190, %add3A_191 : i32
          %add3A_193 = vector.broadcast %add3A_192 : i32 to vector<16xi32>
          %add3A_194 = arith.addi %mul3A_188, %add3A_193 : vector<16xi32>
          %gather3A_195 = tpu.vector_load_idx %arg11[%add3A_54, %add3A_194] : memref<128x64xf32, #tpu.memory_space<vmem>>[vector<16xi32>, vector<16xi32>], vector<16xf32>,
          %gather3A_196 = tpu.vector_load_idx %arg9[%select_n3A, %add3A_194] : memref<128x64xf32, #tpu.memory_space<vmem>>[vector<16xi32>, vector<16xi32>], vector<16xf32>,
          %mul3A_197 = arith.mulf %gather3A_196, %gather3A_195 : vector<16xf32>
          %add3A_198 = arith.addf %add3A_183, %mul3A_197 : vector<16xf32>
          %mul3A_199 = arith.mulf %gather3A_195, %gather3A_195 : vector<16xf32>
          %add3A_200 = arith.addf %add3A_185, %mul3A_199 : vector<16xf32>
          %mul3A_201 = arith.constant 0 : i32
          %mul3A_202 = vector.broadcast %mul3A_201 : i32 to vector<16xi32>
          %mul3A_203 = arith.muli %iota3A, %mul3A_202 : vector<16xi32>
          %mul3A_204 = arith.constant 8 : i32
          %mul3A_205 = arith.muli %scan3A_138, %mul3A_204 : i32
          %add3A_206 = arith.constant 4 : i32
          %add3A_207 = arith.addi %mul3A_205, %add3A_206 : i32
          %add3A_208 = vector.broadcast %add3A_207 : i32 to vector<16xi32>
          %add3A_209 = arith.addi %mul3A_203, %add3A_208 : vector<16xi32>
          %gather3A_210 = tpu.vector_load_idx %arg11[%add3A_54, %add3A_209] : memref<128x64xf32, #tpu.memory_space<vmem>>[vector<16xi32>, vector<16xi32>], vector<16xf32>,
          %gather3A_211 = tpu.vector_load_idx %arg9[%select_n3A, %add3A_209] : memref<128x64xf32, #tpu.memory_space<vmem>>[vector<16xi32>, vector<16xi32>], vector<16xf32>,
          %mul3A_212 = arith.mulf %gather3A_211, %gather3A_210 : vector<16xf32>
          %add3A_213 = arith.addf %add3A_198, %mul3A_212 : vector<16xf32>
          %mul3A_214 = arith.mulf %gather3A_210, %gather3A_210 : vector<16xf32>
          %add3A_215 = arith.addf %add3A_200, %mul3A_214 : vector<16xf32>
          %mul3A_216 = arith.constant 0 : i32
          %mul3A_217 = vector.broadcast %mul3A_216 : i32 to vector<16xi32>
          %mul3A_218 = arith.muli %iota3A, %mul3A_217 : vector<16xi32>
          %mul3A_219 = arith.constant 8 : i32
          %mul3A_220 = arith.muli %scan3A_138, %mul3A_219 : i32
          %add3A_221 = arith.constant 5 : i32
          %add3A_222 = arith.addi %mul3A_220, %add3A_221 : i32
          %add3A_223 = vector.broadcast %add3A_222 : i32 to vector<16xi32>
          %add3A_224 = arith.addi %mul3A_218, %add3A_223 : vector<16xi32>
          %gather3A_225 = tpu.vector_load_idx %arg11[%add3A_54, %add3A_224] : memref<128x64xf32, #tpu.memory_space<vmem>>[vector<16xi32>, vector<16xi32>], vector<16xf32>,
          %gather3A_226 = tpu.vector_load_idx %arg9[%select_n3A, %add3A_224] : memref<128x64xf32, #tpu.memory_space<vmem>>[vector<16xi32>, vector<16xi32>], vector<16xf32>,
          %mul3A_227 = arith.mulf %gather3A_226, %gather3A_225 : vector<16xf32>
          %add3A_228 = arith.addf %add3A_213, %mul3A_227 : vector<16xf32>
          %mul3A_229 = arith.mulf %gather3A_225, %gather3A_225 : vector<16xf32>
          %add3A_230 = arith.addf %add3A_215, %mul3A_229 : vector<16xf32>
          %mul3A_231 = arith.constant 0 : i32
          %mul3A_232 = vector.broadcast %mul3A_231 : i32 to vector<16xi32>
          %mul3A_233 = arith.muli %iota3A, %mul3A_232 : vector<16xi32>
          %mul3A_234 = arith.constant 8 : i32
          %mul3A_235 = arith.muli %scan3A_138, %mul3A_234 : i32
          %add3A_236 = arith.constant 6 : i32
          %add3A_237 = arith.addi %mul3A_235, %add3A_236 : i32
          %add3A_238 = vector.broadcast %add3A_237 : i32 to vector<16xi32>
          %add3A_239 = arith.addi %mul3A_233, %add3A_238 : vector<16xi32>
          %gather3A_240 = tpu.vector_load_idx %arg11[%add3A_54, %add3A_239] : memref<128x64xf32, #tpu.memory_space<vmem>>[vector<16xi32>, vector<16xi32>], vector<16xf32>,
          %gather3A_241 = tpu.vector_load_idx %arg9[%select_n3A, %add3A_239] : memref<128x64xf32, #tpu.memory_space<vmem>>[vector<16xi32>, vector<16xi32>], vector<16xf32>,
          %mul3A_242 = arith.mulf %gather3A_241, %gather3A_240 : vector<16xf32>
          %add3A_243 = arith.addf %add3A_228, %mul3A_242 : vector<16xf32>
          %mul3A_244 = arith.mulf %gather3A_240, %gather3A_240 : vector<16xf32>
          %add3A_245 = arith.addf %add3A_230, %mul3A_244 : vector<16xf32>
          %mul3A_246 = arith.constant 0 : i32
          %mul3A_247 = vector.broadcast %mul3A_246 : i32 to vector<16xi32>
          %mul3A_248 = arith.muli %iota3A, %mul3A_247 : vector<16xi32>
          %mul3A_249 = arith.constant 8 : i32
          %mul3A_250 = arith.muli %scan3A_138, %mul3A_249 : i32
          %add3A_251 = arith.constant 7 : i32
          %add3A_252 = arith.addi %mul3A_250, %add3A_251 : i32
          %add3A_253 = vector.broadcast %add3A_252 : i32 to vector<16xi32>
          %add3A_254 = arith.addi %mul3A_248, %add3A_253 : vector<16xi32>
          %gather3A_255 = tpu.vector_load_idx %arg11[%add3A_54, %add3A_254] : memref<128x64xf32, #tpu.memory_space<vmem>>[vector<16xi32>, vector<16xi32>], vector<16xf32>,
          %gather3A_256 = tpu.vector_load_idx %arg9[%select_n3A, %add3A_254] : memref<128x64xf32, #tpu.memory_space<vmem>>[vector<16xi32>, vector<16xi32>], vector<16xf32>,
          %mul3A_257 = arith.mulf %gather3A_256, %gather3A_255 : vector<16xf32>
          %add3A_258 = arith.addf %add3A_243, %mul3A_257 : vector<16xf32>
          %mul3A_259 = arith.mulf %gather3A_255, %gather3A_255 : vector<16xf32>
          %add3A_260 = arith.addf %add3A_245, %mul3A_259 : vector<16xf32>
          scf.yield %add3A_258, %add3A_260 : vector<16xf32>, vector<16xf32>
        }
        %scan3A_86 = arith.constant 8 : i32
        %mul3A_87 = arith.mulf %scan3A_85#1, %gather3A : vector<16xf32>
        %max3A = arith.constant 1.000000e-30 : f32
        %max3A_88 = vector.broadcast %max3A : f32 to vector<16xf32>
        %max3A_89 = arith.maximumf %mul3A_87, %max3A_88 : vector<16xf32>
        %bitcast_convert_type3A = tpu.bitcast %max3A_89 : vector<16xf32> -> vector<16xi32>
        %shift_right_arithmetic3A = arith.constant 1 : i32
        %shift_right_arithmetic3A_90 = vector.broadcast %shift_right_arithmetic3A : i32 to vector<16xi32>
        %shift_right_arithmetic3A_91 = arith.shrsi %bitcast_convert_type3A, %shift_right_arithmetic3A_90 : vector<16xi32>
        %sub3A_92 = arith.constant 1597463007 : i32
        %sub3A_93 = vector.broadcast %sub3A_92 : i32 to vector<16xi32>
        %sub3A_94 = arith.subi %sub3A_93, %shift_right_arithmetic3A_91 : vector<16xi32>
        %bitcast_convert_type3A_95 = tpu.bitcast %sub3A_94 : vector<16xi32> -> vector<16xf32>
        %mul3A_96 = arith.constant 5.000000e-01 : f32
        %mul3A_97 = vector.broadcast %mul3A_96 : f32 to vector<16xf32>
        %mul3A_98 = arith.mulf %mul3A_97, %max3A_89 : vector<16xf32>
        %mul3A_99 = arith.mulf %mul3A_98, %bitcast_convert_type3A_95 : vector<16xf32>
        %mul3A_100 = arith.mulf %mul3A_99, %bitcast_convert_type3A_95 : vector<16xf32>
        %sub3A_101 = arith.constant 1.500000e+00 : f32
        %sub3A_102 = vector.broadcast %sub3A_101 : f32 to vector<16xf32>
        %sub3A_103 = arith.subf %sub3A_102, %mul3A_100 : vector<16xf32>
        %mul3A_104 = arith.mulf %bitcast_convert_type3A_95, %sub3A_103 : vector<16xf32>
        %mul3A_105 = arith.constant 5.000000e-01 : f32
        %mul3A_106 = vector.broadcast %mul3A_105 : f32 to vector<16xf32>
        %mul3A_107 = arith.mulf %mul3A_106, %max3A_89 : vector<16xf32>
        %mul3A_108 = arith.mulf %mul3A_107, %mul3A_104 : vector<16xf32>
        %mul3A_109 = arith.mulf %mul3A_108, %mul3A_104 : vector<16xf32>
        %sub3A_110 = arith.constant 1.500000e+00 : f32
        %sub3A_111 = vector.broadcast %sub3A_110 : f32 to vector<16xf32>
        %sub3A_112 = arith.subf %sub3A_111, %mul3A_109 : vector<16xf32>
        %mul3A_113 = arith.mulf %mul3A_104, %sub3A_112 : vector<16xf32>
        %mul3A_114 = arith.constant 5.000000e-01 : f32
        %mul3A_115 = vector.broadcast %mul3A_114 : f32 to vector<16xf32>
        %mul3A_116 = arith.mulf %mul3A_115, %max3A_89 : vector<16xf32>
        %mul3A_117 = arith.mulf %mul3A_116, %mul3A_113 : vector<16xf32>
        %mul3A_118 = arith.mulf %mul3A_117, %mul3A_113 : vector<16xf32>
        %sub3A_119 = arith.constant 1.500000e+00 : f32
        %sub3A_120 = vector.broadcast %sub3A_119 : f32 to vector<16xf32>
        %sub3A_121 = arith.subf %sub3A_120, %mul3A_118 : vector<16xf32>
        %mul3A_122 = arith.mulf %mul3A_113, %sub3A_121 : vector<16xf32>
        %mul3A_123 = arith.mulf %mul3A_87, %mul3A_122 : vector<16xf32>
        %max3A_124 = arith.constant 9.99999993E-9 : f32
        %max3A_125 = vector.broadcast %max3A_124 : f32 to vector<16xf32>
        %max3A_126 = arith.maximumf %mul3A_123, %max3A_125 : vector<16xf32>
        %div3A_127 = arith.divf %scan3A_85#0, %max3A_126 : vector<16xf32>
        %lt3A = arith.constant 20 : i32
        %lt3A_128 = vector.broadcast %lt3A : i32 to vector<16xi32>
        %lt3A_129 = arith.cmpi slt, %add3A_42, %lt3A_128 : vector<16xi32>
        %sub3A_130 = arith.constant 1.000000e+00 : f32
        %sub3A_131 = vector.broadcast %sub3A_130 : f32 to vector<16xf32>
        %sub3A_132 = arith.subf %sub3A_131, %div3A_127 : vector<16xf32>
        %max3A_133 = arith.constant 0.000000e+00 : f32
        %max3A_134 = vector.broadcast %max3A_133 : f32 to vector<16xf32>
        %max3A_135 = arith.maximumf %div3A_127, %max3A_134 : vector<16xf32>
        %select_n3A_136 = arith.select %lt3A_129, %sub3A_132, %max3A_135 : vector<16xi1>, vector<16xf32>
        %add3A_137 = arith.addf %scan3A_50, %select_n3A_136 : vector<16xf32>
        scf.yield %add3A_137 : vector<16xf32>
      }
      %scan3A_48 = arith.constant 8 : i32
      scf.yield %scan3A_47 : vector<16xf32>
    }
    %scan3A_16 = arith.constant 40 : i32
    %mul3A_17 = arith.constant 1.22070314E-5 : f32
    %mul3A_18 = vector.broadcast %mul3A_17 : f32 to vector<16xf32>
    %mul3A_19 = arith.mulf %scan3A_15, %mul3A_18 : vector<16xf32>
    %swap3A = arith.constant 0 : index
    %swap3A_20 = tpu.vector_load %arg12[%swap3A] {strides = array<i32>} : memref<16xf32, #tpu.memory_space<vmem>>, vector<16xf32>,
    tpu.vector_store %arg12[%swap3A], %mul3A_19 {strides = array<i32>} : memref<16xf32, #tpu.memory_space<vmem>>, vector<16xf32>,
    "tpu.region"() ({
      %run_scoped3A = tpu.sem_alloc : memref<!tpu.dma_semaphore, #tpu.memory_space<semaphore_mem>>
      %dma_start3A_21 = arith.constant 0 : i32
      %dma_start3A_22 = tpu.memref_slice %arg6[%add3A, %dma_start3A_21] : memref<32x16xf32, #tpu.memory_space<hbm>> -> memref<1x16xf32, #tpu.memory_space<hbm>>
      %dma_start3A_23 = tpu.memref_squeeze %dma_start3A_22 : memref<1x16xf32, #tpu.memory_space<hbm>> -> memref<16xf32, #tpu.memory_space<hbm>>
      %dma_start3A_24 = arith.constant 0 : i32
      %dma_start3A_25 = tpu.memref_slice %arg6[%add3A, %dma_start3A_24] : memref<32x16xf32, #tpu.memory_space<hbm>> -> memref<1x16xf32, #tpu.memory_space<hbm>>
      %dma_start3A_26 = tpu.memref_squeeze %dma_start3A_25 : memref<1x16xf32, #tpu.memory_space<hbm>> -> memref<16xf32, #tpu.memory_space<hbm>>
      tpu.enqueue_dma source(%arg12 : memref<16xf32, #tpu.memory_space<vmem>>) target(%dma_start3A_26 : memref<16xf32, #tpu.memory_space<hbm>>) target_semaphore(%run_scoped3A : memref<!tpu.dma_semaphore, #tpu.memory_space<semaphore_mem>>)
      %dma_wait3A_27 = arith.constant 0 : i32
      %dma_wait3A_28 = tpu.memref_slice %arg6[%add3A, %dma_wait3A_27] : memref<32x16xf32, #tpu.memory_space<hbm>> -> memref<1x16xf32, #tpu.memory_space<hbm>>
      %dma_wait3A_29 = tpu.memref_squeeze %dma_wait3A_28 : memref<1x16xf32, #tpu.memory_space<hbm>> -> memref<16xf32, #tpu.memory_space<hbm>>
      %dma_wait3A_30 = arith.constant 0 : i32
      %dma_wait3A_31 = tpu.memref_slice %arg6[%add3A, %dma_wait3A_30] : memref<32x16xf32, #tpu.memory_space<hbm>> -> memref<1x16xf32, #tpu.memory_space<hbm>>
      %dma_wait3A_32 = tpu.memref_squeeze %dma_wait3A_31 : memref<1x16xf32, #tpu.memory_space<hbm>> -> memref<16xf32, #tpu.memory_space<hbm>>
      tpu.wait_dma2 semaphore(%run_scoped3A : memref<!tpu.dma_semaphore, #tpu.memory_space<semaphore_mem>>) src(%arg12 : memref<16xf32, #tpu.memory_space<vmem>>) dst(%dma_wait3A_32 : memref<16xf32, #tpu.memory_space<hbm>>)
      tpu.yield
    }) : () -> ()
    return
  }
}

</mosaic_0001>

<sc_bundles>
// kernel: kernel.3.cloned.1.call-start
scs
__scs_entry_jumppad:
0x0: {  	(pc) =	sbr.rel $0x88, $3  }
0x1: {  	(tag) =	ssettag $0x0;
	lr =	simm.s32 $0x1  }
0x2: {  	[smem:$0x3F9C] =	sst lr;
	_ =	strace $0xD0000000  }
0x3: {  	_ = 	snop  }
0x4: {  	_ = 	snop  }
0x5: {  	_ = 	snop  }
0x6: {  	_ = 	snop  }
0x7: {  	_ = 	snop  }
__scs_overlays_trampoline_lowered:
0x8: {  	[smem:$0x3FAB] =	sst s0  }
0x9: {  	[smem:$0x3FAC] =	sst s1  }
0xa: {  	[smem:$0x3FAD] =	sst s2  }
0xb: {  	[smem:$0x3FAE] =	sst s3  }
0xc: {  	[smem:$0x3FAF] =	sst s4  }
0xd: {  	[smem:$0x3FB0] =	sst s5  }
0xe: {  	[smem:$0x3FB1] =	sst s6  }
0xf: {  	[smem:$0x3FB2] =	sst s7  }
0x10: {  	[smem:$0x3FB3] =	sst s8  }
0x11: {  	[smem:$0x3FB4] =	sst s9;
	s0 =	simm.s32 @!p0 $0x0  }
0x12: {  	s1 =	sld [smem:$0x3F9A];
	s0 =	simm.s32 @p0 $0x1  }
0x13: {  	[smem:$0x3FB5] =	sst s0;
	s0 =	simm.s32 @!p1 $0x0  }
0x14: {  	s2 =	sld [smem:$0x3F99];
	s0 =	simm.s32 @p1 $0x1  }
0x15: {  	[smem:$0x3FB6] =	sst s0;
	s0 =	simm.s32 @!p2 $0x0  }
0x16: {  	s3 =	sld [smem:$0x3FDB];
	s0 =	simm.s32 @p2 $0x1  }
0x17: {  	s4 =	simm.s32 $0x1BF5;
	[smem:$0x3FB8] =	sst s0  }
0x18: {  	s0 =	sld [smem:$0x3F9B];
	_ =	swait.ge [sflag:s4], $0x0  }
0x19: {  	s7 =	sld [smem:$0x3F9C]  }
0x1a: {  	s8 =	sadd.s32 $0xFFFFE003, lr  }
0x1b: {  	s9 =	sadd.s32 $0xFFFFFEF7, lr;
	s5 =	simm.s32 $0xFFFFFFFF;
	p2 =	slt.u32 s8, $0xFFFFF086  }
0x1c: {  	p1 =	slt.u32 s9, $0xF7A;
	s5 =	simm.s32 @!p2 $0x0  }
0x1d: {  	s5 =	simm.s32 @p1 $0x1;
	p0 =	seq.s32 s7, s2  }
0x1e: {  	s7 =	smul.u32 @!p0 $0xF7A, s2;
	p2 =	seq.s32 @!p0 s5, $0x0  }
0x1f: {  	s9 =	smul.u32 $0xF7A, s1;
	s8 =	simm.s32 @!p0 $0x1BF5;
	p2 =	por !p2, p0  }
0x20: {  	[sflag:s8] =	ssyncset.s32 @!p0 $0xFFFFF086;
	s6 =	sadd.s32 @!p0 s3, s7;
	s7 =	simm.s32 @!p0 $0x108  }
0x21: {  	s3 =	sadd.s32 s3, s9;
	s6 =	sadd.s32 @!p0 $0x88, s6;
	s7 =	simm.s32 @p2 $0x1082  }
0x22: {  	[simem:s7], [sflag:s8] =	dma.local @!p0 [hbm:s6], $0xF7A  }
0x23: {  	s9 =	sor.u32 $0xD0000000, s2;
	s6 =	simm.s32 $0x108;
	_ =	swait.ge @!p0 [sflag:s8], $0x0  }
0x24: {  	s3 =	sadd.s32 $0x88, s3;
	s6 =	simm.s32 @!p1 $0x1082;
	[sflag:s4] =	ssyncset.s32 $0xFFFFF086  }
0x25: {  	[simem:s6], [sflag:s4] =	dma.local [hbm:s3], $0xF7A  }
0x26: {  	[smem:$0x3F9C] =	sst s1;
	(tag) =	ssettag s2;
	_ =	strace s9  }
0x27: {  	s1 =	sld [smem:$0x3FAC]  }
0x28: {  	s2 =	sld [smem:$0x3FAD]  }
0x29: {  	s4 =	sld [smem:$0x3FAF]  }
0x2a: {  	p0 =	seq.s32 s5, $0x0;
	s5 =	sld [smem:$0x3FB0]  }
0x2b: {  	s6 =	sld [smem:$0x3FB1]  }
0x2c: {  	s7 =	sld [smem:$0x3FB2]  }
0x2d: {  	s3 =	simm.s32 $0x108;
	s8 =	sld [smem:$0x3FB3]  }
0x2e: {  	s3 =	simm.s32 @!p0 $0x1082;
	s9 =	sld [smem:$0x3FB4]  }
0x2f: {  	lr =	sadd.s32 s0, s3;
	s0 =	sld [smem:$0x3FAB]  }
0x30: {  	s3 =	sld [smem:$0x3FAE]  }
0x31: {  	[smem:$0x3FB7] =	sst s10  }
0x32: {  	s10 =	sld [smem:$0x3FB5];
	_ =	sdelay $0x3  }
0x33: {  	p0 =	seq.s32 s10, $0x1;
	s10 =	sld [smem:$0x3FB7];
	_ =	sdelay $0x3  }
0x34: {  	[smem:$0x3FB7] =	sst s10  }
0x35: {  	s10 =	sld [smem:$0x3FB6];
	_ =	sdelay $0x3  }
0x36: {  	p1 =	seq.s32 s10, $0x1;
	s10 =	sld [smem:$0x3FB7];
	_ =	sdelay $0x3  }
0x37: {  	[smem:$0x3FB7] =	sst s10  }
0x38: {  	s10 =	sld [smem:$0x3FB8]  }
0x39: {  	_ = 	snop;
	(pc) =	sbr.ind lr, $3  }
0x3a: {  	_ = 	snop  }
0x3b: {  	_ = 	snop  }
0x3c: {  	p2 =	seq.s32 s10, $0x1;
	s10 =	sld [smem:$0x3FB7]  }
0x3d: {  	_ =	shalt  }
0x3e: {  	_ =	shalt  }
0x3f: {  	_ =	shalt  }
0x40: {  	_ =	shalt  }
0x41: {  	_ =	shalt  }
0x42: {  	_ =	shalt  }
0x43: {  	_ =	shalt  }
0x44: {  	_ =	shalt  }
0x45: {  	_ =	shalt  }
0x46: {  	_ =	shalt  }
0x47: {  	_ =	shalt  }
0x48: {  	_ =	shalt  }
0x49: {  	_ =	shalt  }
0x4a: {  	_ =	shalt  }
0x4b: {  	_ =	shalt  }
0x4c: {  	_ =	shalt  }
0x4d: {  	_ =	shalt  }
0x4e: {  	_ =	shalt  }
0x4f: {  	_ =	shalt  }
0x50: {  	_ =	shalt  }
0x51: {  	_ =	shalt  }
0x52: {  	_ =	shalt  }
0x53: {  	_ =	shalt  }
0x54: {  	_ =	shalt  }
0x55: {  	_ =	shalt  }
0x56: {  	_ =	shalt  }
0x57: {  	_ =	shalt  }
0x58: {  	_ =	shalt  }
0x59: {  	_ =	shalt  }
0x5a: {  	_ =	shalt  }
0x5b: {  	_ =	shalt  }
0x5c: {  	_ =	shalt  }
0x5d: {  	_ =	shalt  }
0x5e: {  	_ =	shalt  }
0x5f: {  	_ =	shalt  }
0x60: {  	_ =	shalt  }
0x61: {  	_ =	shalt  }
0x62: {  	_ =	shalt  }
0x63: {  	_ =	shalt  }
0x64: {  	_ =	shalt  }
0x65: {  	_ =	shalt  }
0x66: {  	_ =	shalt  }
0x67: {  	_ =	shalt  }
0x68: {  	_ =	shalt  }
0x69: {  	_ =	shalt  }
0x6a: {  	_ =	shalt  }
0x6b: {  	_ =	shalt  }
0x6c: {  	_ =	shalt  }
0x6d: {  	_ =	shalt  }
0x6e: {  	_ =	shalt  }
0x6f: {  	_ =	shalt  }
0x70: {  	_ =	shalt  }
0x71: {  	_ =	shalt  }
0x72: {  	_ =	shalt  }
0x73: {  	_ =	shalt  }
0x74: {  	_ =	shalt  }
0x75: {  	_ =	shalt  }
0x76: {  	_ =	shalt  }
0x77: {  	_ =	shalt  }
0x78: {  	_ =	shalt  }
0x79: {  	_ =	shalt  }
0x7a: {  	_ =	shalt  }
0x7b: {  	_ =	shalt  }
0x7c: {  	_ =	shalt  }
0x7d: {  	_ =	shalt  }
0x7e: {  	_ =	shalt  }
0x7f: {  	_ =	shalt  }
0x80: {  	_ =	shalt  }
0x81: {  	_ =	shalt  }
0x82: {  	_ =	shalt  }
0x83: {  	_ =	shalt  }
0x84: {  	_ =	shalt  }
0x85: {  	_ =	shalt  }
0x86: {  	_ =	shalt  }
0x87: {  	_ =	shalt  }
.Lfunc_end0:
.L_simem_size_0:
called_computation_lowered:
.L_overlay_start_0:
0x88: {  	s2 =	sld [smem:$0x3FD9]  }
0x89: {  	s3 =	sld [smem:$0x3FFE];
	_ =	sdelay $0x1  }
0x8a: {  	s1 =	srdreg.scid  }
0x8b: {  	s0 =	sand.u32 $0x1, s1  }
0x8c: {  	s17 =	sshll.u32 s0, $0xA;
	s2 =	sadd.s32 s3, s2  }
0x8d: {  	s2 =	sadd.s32 s2, s17  }
0x8e: {  	[smem:$0x3FC3] =	sst s2  }
0x8f: {  	_ = 	snop  }
0x90: {  	s2 =	sld [smem:$0x3FC7];
	(tm) =	ssettm $0x1  }
0x91: {  	s18 =	sld [smem:$0x3FFB];
	_ =	sdelay $0x3  }
0x92: {  	_ =	strace s18  }
0x93: {  	s3 =	sld [smem:$0x3FFC];
	_ =	sdelay $0x3  }
0x94: {  	_ =	strace s3  }
0x95: {  	s3 =	sld [smem:$0x3FFD];
	_ =	sdelay $0x3  }
0x96: {  	_ =	strace s3  }
0x97: {  	_ =	strace $0x8FFFFFFF  }
0x98: {  	s19 =	sld [smem:$0x3FDB];
	_ =	sdelay $0x1  }
0x99: {  	s4 =	simm.s32 $_scs_section_size  }
0x9a: {  	s5 =	simm.s32 $_size__tile_overlayer_lowered;
	s6 =	simm.s32 $_tile_overlayer_lowered  }
0x9b: {  	s22 =	simm.s32 $0x1BFF;
	s21 =	sshll.u32 s6, $0x1;
	s3 =	sadd.s32 s4, s19  }
0x9c: {  	s7 =	simm.s32 $0x0;
	s20 =	sshll.u32 s5, $0x1;
	s5 =	sadd.s32 s21, s3  }
0x9d: {  	[timem:s7], [sflag:s22] =	dma.local [hbm:s5], s20  }
0x9e: {  	_ =	swait.ge [sflag:s22], s20  }
0x9f: {  	s4 =	ssub.s32 $0x0, s20;
	[sflag:s22] =	ssyncset.done $0x0  }
0xa0: {  	[sflag:s22] =	ssyncadd.s32 s4;
	_ =	sdelay $0x1  }
0xa1: {  	s23 =	simm.s32 $0x1B8B  }
0xa2: {  	_ =	swait.ge [sflag:s23], $0x1  }
0xa3: {  	[sflag:s23] =	ssyncset.done $0x0  }
0xa4: {  	s25 =	simm.s32 $0x1B8E;
	s24 =	sld [smem:$0x3FFE];
	[sflag:s23] =	ssyncadd.s32 $0xFFFFFFFF  }
0xa5: {  	s26 =	simm.s32 $execute0_lowered;
	[smem:$0x3FD2] =	sst s25  }
0xa6: {  	s5 =	sshll.u32 s26, $0x1;
	_ =	strace $0x80000046;
	[dreg:$0x1] =	wrdreg $0xFFFFFFFF  }
0xa7: {  	s28 =	simm.s32 $_size_execute0_lowered;
	s3 =	sadd.s32 s3, s5;
	[dreg:$0x0] =	wrdreg $0x0  }
0xa8: {  	s5 =	sshll.u32 s28, $0x1;
	[dreg:$0x2] =	wrdreg s3  }
0xa9: {  	[dreg:$0x3] =	wrdreg s5  }
0xaa: {  	[dreg:$0x4] =	wrdreg $0xC0  }
0xab: {  	_ =	task [dreg:s7], $0x5FFFF  }
0xac: {  	[dreg:$0x1] =	wrdreg $0xFFFFFFFF  }
0xad: {  	[dreg:$0x0] =	wrdreg $0x60  }
0xae: {  	[dreg:$0x2] =	wrdreg s24  }
0xaf: {  	[dreg:$0x3] =	wrdreg s2  }
0xb0: {  	[dreg:$0x4] =	wrdreg $0x9  }
0xb1: {  	_ =	task.clear_ibuf [dreg:s7], $0x5FFFF;
	_ =	strace $0x90000046  }
0xb2: {  	s29 =	simm.s32 $0x9;
	_ =	strace $0x80000048  }
0xb3: {  	_ =	swait.ge [sflag:s29], $0x1  }
0xb4: {  	[sflag:s29] =	ssyncadd.s32 $0xFFFFFFFF  }
0xb5: {  	_ =	strace $0x90000048  }
0xb6: {  	_ =	sfence  }
0xb7: {  	s30 =	sld [smem:$0x0];
	_ =	sdelay $0x2  }
0xb8: {  	s31 =	sshll.u32 s1, $0xD;
	s1 =	sshrl.u32 s1, $0x2  }
0xb9: {  	s3 =	sand.u32 $0x4000, s31;
	s1 =	sadd.s32 s1, s30  }
0xba: {  	s0 =	sor.u32 s3, s0;
	s1 =	sshll.u32 s1, $0x11  }
0xbb: {  	s0 =	sor.u32 s1, s0  }
0xbc: {  	s0 =	sadd.s32 $0x8F2B, s0  }
0xbd: {  	[sflag:s0] =	ssyncadd.remote.s32 $0x1  }
0xbe: {  	_ =	sfence.sel $0xFFFF  }
0xbf: {  	[dreg:$0x0] =	wrdreg $0xFFFFFFFF;
	(pc) =	sbr.abs _section_cstart, $3  }
0xc0: {  	[dreg:$0x1] =	wrdreg $0xFFFFFFFF  }
0xc1: {  	_ =	task.clear_ibuf [dreg:s7], $0x2FFFF;
	_ =	strace $0x9FFFFFFF  }
0xc2: {  	(tm) =	ssettm $0x7FFFFFFF  }
0xc3: {  	_ =	shalt  }
tec
execute0_lowered:
.L_overlay_start_1:
0x0: {  	(tag) =	ssettag $0x1  }
0x1: {  	s5 =	rddreg [dreg:$0x0]  }
0x2: {  	s6 =	rddreg [dreg:$0x1]  }
0x3: {  	s0 =	rddreg [dreg:$0x2]  }
0x4: {  	s3 =	srdreg.scid;
	s1 =	stileid.u32;
	s2 =	simm.s32 $0x0  }
0x5: {  	s12 =	simm.s32 $0x1;
	s13 =	simm.s32 $0x3500;
	s14 =	simm.s32 $0x3480  }
0x6: {  	s15 =	simm.s32 $0x5500;
	s16 =	simm.s32 $0x0;
	s7 =	sand.u32 $0x1, s3  }
0x7: {  	s30 =	sshll.u32 s1, $0x1;
	[smem:$0x7FF] =	sst s2;
	s3 =	sadd.s32 $0x16E3A00, s5  }
0x8: {  	s4 =	sadd.s32 $0xF42800, s5;
	s8 =	sor.u32 s7, s30;
	_ =	strace $0x80000047  }
0x9: {  	s7 =	ssub.s32 $0x2, s7;
	s9 =	smul.u32 $0x280, s8;
	s10 =	sshll.u32 s8, $0x1  }
0xa: {  	s11 =	sshrl.u32 s7, $0x1;
	s31 =	sshll.u32 s8, $0x4;
	s10 =	sadd.s32 s10, s5  }
0xb: {  	s11 =	ssub.s32 s7, s11;
	s9 =	sadd.s32 s9, s5;
	s5 =	sadd.s32 s6, s31  }
0xc: {  	v0 =	vlaneseq.u32;
	s7 =	sadd.s32 $0x5400, s10;
	s8 =	smax.u32 s11, $0x1;
	s10 =	simm.s32 $0x80  }
0xd: {  	v1 =	vmul.u32 $0x40, v0;
	s11 =	simm.s32 $0x1480;
	s6 =	sadd.s32 $0x400, s9;
	s9 =	simm.s32 $0x2  }
.LBB2_1:
0xe: {  	[tilespmem:s2], [sflag:$0x2] =	stream.linear.gather [hbm4b:s5+s2], $0x80, $0x38;
	[tilespmem:$0x5510] =	vst v63  }
0xf: {  	_ =	swait.ge [sflag:s9], $0x80  }
0x10: {  	[sflag:s9] =	ssyncset.done $0x0  }
0x11: {  	[sflag:s9] =	ssyncadd.s32 $0xFFFFFF80  }
0x12: {  	[tilespmem:s10], [sflag:$0x2] =	stream.linear.gather [hbm4b:s6+s2], $0x1400, $0x38;
	[tilespmem:$0x5510] =	vst v63  }
0x13: {  	_ =	swait.ge [sflag:s9], $0x1400  }
0x14: {  	[sflag:s9] =	ssyncset.done $0x0  }
0x15: {  	[sflag:s9] =	ssyncadd.s32 $0xFFFFEC00  }
0x16: {  	[tilespmem:s11], [sflag:$0x1] =	stream.indirect.gather [hbm4b:s3+s10], $0x40, s2, s10, $0xb8;
	[tilespmem:$0x5510] =	vst v63  }
0x17: {  	_ =	swait.ge [sflag:s12], $0x2000  }
0x18: {  	[sflag:s12] =	ssyncset.done $0x0  }
0x19: {  	s17 =	simm.s32 $0x0;
	[sflag:s12] =	ssyncadd.s32 $0xFFFFE000  }
.LBB2_2:
0x1a: {  	s18 =	simm.s32 $0x0  }
0x1b: {  	v2 =	vmov s18  }
0x1c: {  	s18 =	sshll.u32 s17, $0x4;
	v2 =	vshrl.u32 v2, $0x3  }
0x1d: {  	v3 =	vmov s18;
	v2 =	vshll.u32 v2, $0x3  }
0x1e: {  	v3 =	vshll.u32 v3, $0x6;
	v10 =	vbroadcast v2, $0x0  }
0x1f: {  	v9 =	vor.u32 v1, v3  }
0x20: {  	v2 =	vor.u32 v9, v10  }
0x21: {  	v8 =	vor.u32 $0x1, v9  }
0x22: {  	v11 =	vadd.s32 v8, v10  }
0x23: {  	v7 =	vor.u32 $0x2, v9  }
0x24: {  	v5 =	vor.u32 $0x3, v9;
	v13 =	vadd.s32 v7, v10  }
0x25: {  	v19 =	vadd.s32 v5, v10;
	v14 =	vld.idx.msk [tilespmem:v2+s11+$0x0], $0xffff  }
0x26: {  	v6 =	vor.u32 $0x4, v9  }
0x27: {  	v15 =	vadd.s32 v6, v10;
	v12 =	vld.idx.msk [tilespmem:v11+s11+$0x0], $0xffff  }
0x28: {  	s19 =	simm.s32 $0x8;
	v4 =	vor.u32 $0x5, v9  }
0x29: {  	v16 =	vimm.f32 $0.0e+00;
	v18 =	vmov s19;
	v11 =	vld.idx.msk [tilespmem:v13+s11+$0x0], $0xffff;
	v13 =	vadd.s32 v4, v10  }
0x2a: {  	s19 =	simm.s32 $0x10;
	v3 =	vor.u32 $0x6, v9;
	v2 =	vor.u32 $0x7, v9;
	v17 =	vmul.f32 v14, v14;
	v14 =	vld.idx.msk [tilespmem:v19+s11+$0x0], $0xffff  }
.LBB2_3:
0x2b: {  	p0 =	sne.s32 s19, $0x38;
	v18 =	vshrl.u32 v18, $0x3;
	v19 =	vadd.s32 v3, v10  }
0x2c: {  	v12 =	vmul.f32 v12, v12;
	v18 =	vshll.u32 v18, $0x3;
	v16 =	vadd.f32 v17, v16;
	v15 =	vld.idx.msk [tilespmem:v15+s11+$0x0], $0xffff  }
0x2d: {  	v17 =	vadd.s32 v2, v10;
	v10 =	vbroadcast v18, $0x0  }
0x2e: {  	v11 =	vmul.f32 v11, v11;
	v12 =	vadd.f32 v12, v16;
	v13 =	vld.idx.msk [tilespmem:v13+s11+$0x0], $0xffff  }
0x2f: {  	v16 =	vor.u32 v9, v10  }
0x30: {  	v11 =	vadd.f32 v11, v12;
	v12 =	vmul.f32 v14, v14;
	v14 =	vld.idx.msk [tilespmem:v19+s11+$0x0], $0xffff  }
0x31: {  	v18 =	vadd.s32 v8, v10  }
0x32: {  	v11 =	vadd.f32 v12, v11;
	v12 =	vmul.f32 v15, v15;
	v17 =	vld.idx.msk [tilespmem:v17+s11+$0x0], $0xffff  }
0x33: {  	v19 =	vadd.s32 v7, v10  }
0x34: {  	v13 =	vmul.f32 v13, v13;
	v16 =	vld.idx.msk [tilespmem:v16+s11+$0x0], $0xffff;
	v11 =	vadd.f32 v12, v11  }
0x35: {  	v20 =	vadd.s32 v5, v10  }
.Ltmp0:
0x36: {  	v14 =	vmul.f32 v14, v14;
	v12 =	vld.idx.msk [tilespmem:v18+s11+$0x0], $0xffff;
	v13 =	vadd.f32 v13, v11;
	(pc) =	sbr.rel @p0 .LBB2_3-.Ltmp0, $4  }
0x37: {  	v15 =	vadd.s32 v6, v10  }
0x38: {  	v21 =	vmul.f32 v17, v17;
	v11 =	vld.idx.msk [tilespmem:v19+s11+$0x0], $0xffff;
	v19 =	vadd.f32 v14, v13  }
0x39: {  	v13 =	vadd.s32 v4, v10  }
0x3a: {  	v18 =	vmov s19;
	s19 =	sadd.s32 $0x8, s19;
	v17 =	vmul.f32 v16, v16;
	v14 =	vld.idx.msk [tilespmem:v20+s11+$0x0], $0xffff;
	v16 =	vadd.f32 v21, v19  }
0x3b: {  	_ =	sdelay $0x1  }
0x3c: {  	v18 =	vshrl.u32 v18, $0x3  }
0x3d: {  	v19 =	vadd.s32 v3, v10;
	v12 =	vmul.f32 v12, v12;
	v16 =	vadd.f32 v17, v16  }
0x3e: {  	v15 =	vld.idx.msk [tilespmem:v15+s11+$0x0], $0xffff;
	v58 =	vadd.s32 v2, v10;
	v18 =	vshll.u32 v18, $0x3  }
0x3f: {  	v57 =	vbroadcast v18, $0x0;
	v11 =	vmul.f32 v11, v11;
	v12 =	vadd.f32 v12, v16  }
0x40: {  	v13 =	vld.idx.msk [tilespmem:v13+s11+$0x0], $0xffff  }
0x41: {  	v9 =	vor.u32 v9, v57;
	v59 =	vmul.f32 v14, v14;
	v11 =	vadd.f32 v11, v12  }
0x42: {  	v60 =	vld.idx.msk [tilespmem:v19+s11+$0x0], $0xffff  }
0x43: {  	v8 =	vadd.s32 v8, v57;
	v61 =	vmul.f32 v15, v15;
	v11 =	vadd.f32 v59, v11  }
0x44: {  	v10 =	vld.idx.msk [tilespmem:v58+s11+$0x0], $0xffff  }
0x45: {  	v7 =	vadd.s32 v7, v57;
	v62 =	vmul.f32 v13, v13;
	v11 =	vadd.f32 v61, v11  }
0x46: {  	v9 =	vld.idx.msk [tilespmem:v9+s11+$0x0], $0xffff  }
0x47: {  	v5 =	vadd.s32 v5, v57;
	v63 =	vmul.f32 v60, v60;
	v11 =	vadd.f32 v62, v11  }
0x48: {  	v8 =	vld.idx.msk [tilespmem:v8+s11+$0x0], $0xffff  }
0x49: {  	v6 =	vadd.s32 v6, v57;
	v10 =	vmul.f32 v10, v10;
	v11 =	vadd.f32 v63, v11  }
0x4a: {  	v7 =	vld.idx.msk [tilespmem:v7+s11+$0x0], $0xffff  }
0x4b: {  	v4 =	vadd.s32 v4, v57;
	v9 =	vmul.f32 v9, v9;
	v10 =	vadd.f32 v10, v11  }
0x4c: {  	v5 =	vld.idx.msk [tilespmem:v5+s11+$0x0], $0xffff  }
0x4d: {  	v3 =	vadd.s32 v3, v57;
	v8 =	vmul.f32 v8, v8;
	v9 =	vadd.f32 v9, v10  }
0x4e: {  	v6 =	vld.idx.msk [tilespmem:v6+s11+$0x0], $0xffff  }
0x4f: {  	v2 =	vadd.s32 v2, v57;
	v7 =	vmul.f32 v7, v7;
	v8 =	vadd.f32 v8, v9  }
0x50: {  	v4 =	vld.idx.msk [tilespmem:v4+s11+$0x0], $0xffff  }
0x51: {  	v5 =	vmul.f32 v5, v5;
	v7 =	vadd.f32 v7, v8  }
0x52: {  	v3 =	vld.idx.msk [tilespmem:v3+s11+$0x0], $0xffff  }
0x53: {  	v6 =	vmul.f32 v6, v6;
	v5 =	vadd.f32 v5, v7  }
0x54: {  	v2 =	vld.idx.msk [tilespmem:v2+s11+$0x0], $0xffff  }
0x55: {  	v4 =	vmul.f32 v4, v4;
	v5 =	vadd.f32 v6, v5;
	_ =	sdelay $0x1  }
0x56: {  	s17 =	sadd.s32 $0x1, s17;
	v3 =	vmul.f32 v3, v3;
	v4 =	vadd.f32 v4, v5  }
0x57: {  	p0 =	sne.s32 s17, $0x8  }
.Ltmp1:
0x58: {  	v2 =	vmul.f32 v2, v2;
	v3 =	vadd.f32 v3, v4;
	(pc) =	sbr.rel @p0 .LBB2_2-.Ltmp1, $3  }
0x59: {  	_ = 	snop  }
0x5a: {  	v2 =	vadd.f32 v2, v3;
	_ =	sdelay $0x1  }
0x5b: {  	[tilespmem:s18+$0x3480] =	vst v2  }
0x5c: {  	s17 =	simm.s32 $0x0;
	v2 =	vimm.f32 $0.0e+00  }
.LBB2_6:
0x5d: {  	s18 =	sshll.u32 s17, $0x7  }
0x5e: {  	s19 =	sand.u32 $0x3FFFFF80, s18  }
0x5f: {  	s19 =	sadd.s32 $0x80, s19  }
0x60: {  	[tilespmem:s13], [sflag:$0x1] =	stream.indirect.gather [hbm4b:s4+s10], $0x40, s19, s10, $0xb8;
	[tilespmem:$0x5510] =	vst v63  }
0x61: {  	p0 =	slt.u32 s17, $0x14;
	s19 =	sadd.s32 $0xFFFFF600, s18;
	_ =	swait.ge [sflag:s12], $0x2000  }
0x62: {  	s19 =	smov.u32 @p0 s18;
	[sflag:s12] =	ssyncset.done $0x0  }
0x63: {  	p0 =	slt.s32 s17, $0x14;
	s18 =	simm.s32 $0x0;
	v3 =	vor.u32 s19, v0;
	[sflag:s12] =	ssyncadd.s32 $0xFFFFE000  }
.LBB2_7:
0x64: {  	s19 =	simm.s32 $0x0  }
0x65: {  	s30 =	sshll.u32 s18, $0x4;
	v4 =	vmov s19  }
0x66: {  	v5 =	vmov s30;
	v6 =	vor.u32 s30, v3;
	v4 =	vshrl.u32 v4, $0x3  }
0x67: {  	v5 =	vshll.u32 v5, $0x6;
	v6 =	vmulhi.u32 $0xCCCCCCCD, v6;
	v4 =	vshll.u32 v4, $0x3  }
0x68: {  	v14 =	vor.u32 v1, v5;
	v24 =	vbroadcast v4, $0x0  }
0x69: {  	v5 =	vshrl.u32 v6, $0x4;
	v13 =	vor.u32 $0x1, v14  }
0x6a: {  	v6 =	vadd.s32 v13, v24  }
0x6b: {  	v8 =	vshll.u32 v5, $0x6;
	v7 =	vor.u32 v14, v24  }
0x6c: {  	v17 =	vor.u32 $0x2, v14;
	v9 =	vor.u32 v8, v24  }
0x6d: {  	v4 =	vor.u32 $0x1, v8;
	v21 =	vadd.s32 v17, v24  }
0x6e: {  	v10 =	vadd.s32 v4, v24;
	v12 =	vld.idx.msk [tilespmem:v5+s14+$0x0], $0xffff;
	v5 =	vor.u32 $0x2, v8  }
0x6f: {  	v19 =	vor.u32 $0x3, v14;
	v22 =	vadd.s32 v5, v24;
	v37 =	vld.idx.msk [tilespmem:v6+s13+$0x0], $0xffff  }
0x70: {  	v20 =	vor.u32 $0x4, v14;
	v26 =	vadd.s32 v19, v24;
	v23 =	vld.idx.msk [tilespmem:v7+s13+$0x0], $0xffff  }
0x71: {  	s31 =	simm.s32 $0x8;
	v36 =	vimm.f32 $0.0e+00;
	v30 =	vadd.s32 v20, v24;
	v6 =	vor.u32 $0x3, v8;
	v28 =	vld.idx.msk [tilespmem:v9+s11+$0x0], $0xffff  }
0x72: {  	v29 =	vmov s31;
	v18 =	vor.u32 $0x5, v14;
	v21 =	vld.idx.msk [tilespmem:v21+s13+$0x0], $0xffff;
	v27 =	vadd.s32 v6, v24  }
0x73: {  	v33 =	vshrl.u32 v29, $0x3;
	v11 =	vor.u32 $0x4, v8;
	v38 =	vadd.s32 v18, v24;
	v31 =	vld.idx.msk [tilespmem:v10+s11+$0x0], $0xffff  }
0x74: {  	v15 =	vor.u32 $0x6, v14;
	v32 =	vadd.s32 v11, v24;
	v10 =	vor.u32 $0x5, v8;
	v25 =	vld.idx.msk [tilespmem:v22+s11+$0x0], $0xffff  }
0x75: {  	v35 =	vshll.u32 v33, $0x3;
	v33 =	vadd.s32 v15, v24;
	v29 =	vadd.s32 v10, v24;
	v22 =	vld.idx.msk [tilespmem:v26+s13+$0x0], $0xffff  }
0x76: {  	v9 =	vor.u32 $0x6, v8;
	v39 =	vmul.f32 v28, v23;
	v40 =	vmul.f32 v23, v23;
	v23 =	vld.idx.msk [tilespmem:v30+s13+$0x0], $0xffff  }
0x77: {  	v16 =	vor.u32 $0x7, v14;
	v7 =	vor.u32 $0x7, v8;
	v30 =	vadd.s32 v9, v24;
	v26 =	vld.idx.msk [tilespmem:v27+s11+$0x0], $0xffff  }
0x78: {  	v34 =	vadd.s32 v16, v24;
	v28 =	vadd.s32 v7, v24;
	v24 =	vld.idx.msk [tilespmem:v38+s13+$0x0], $0xffff;
	v31 =	vmul.f32 v31, v37  }
0x79: {  	s19 =	simm.s32 $0x10;
	v27 =	vld.idx.msk [tilespmem:v32+s11+$0x0], $0xffff;
	v37 =	vmul.f32 v37, v37;
	v32 =	vadd.f32 v39, v36;
	v36 =	vadd.f32 v40, v36  }
.LBB2_8:
0x7a: {  	v38 =	vmov s19;
	p1 =	sne.s32 s19, $0x38;
	v39 =	vbroadcast v35, $0x0;
	v25 =	vmul.f32 v25, v21;
	v29 =	vld.idx.msk [tilespmem:v29+s11+$0x0], $0xffff  }
0x7b: {  	v21 =	vmul.f32 v21, v21;
	v31 =	vadd.f32 v31, v32;
	v32 =	vadd.f32 v37, v36;
	v33 =	vld.idx.msk [tilespmem:v33+s13+$0x0], $0xffff  }
0x7c: {  	v26 =	vmul.f32 v26, v22;
	v35 =	vor.u32 v14, v39;
	v36 =	vadd.s32 v13, v39;
	v30 =	vld.idx.msk [tilespmem:v30+s11+$0x0], $0xffff  }
0x7d: {  	v22 =	vmul.f32 v22, v22;
	v25 =	vadd.f32 v25, v31;
	v21 =	vadd.f32 v21, v32;
	v31 =	vld.idx.msk [tilespmem:v34+s13+$0x0], $0xffff  }
0x7e: {  	v32 =	vor.u32 v8, v39;
	v34 =	vadd.s32 v4, v39;
	v27 =	vmul.f32 v27, v23;
	v28 =	vld.idx.msk [tilespmem:v28+s11+$0x0], $0xffff  }
0x7f: {  	v25 =	vadd.f32 v26, v25;
	v21 =	vadd.f32 v22, v21;
	v22 =	vmul.f32 v23, v23  }
0x80: {  	v23 =	vadd.s32 v17, v39;
	v26 =	vadd.s32 v5, v39;
	v29 =	vmul.f32 v29, v24  }
0x81: {  	v37 =	vld.idx.msk [tilespmem:v36+s13+$0x0], $0xffff;
	v25 =	vadd.f32 v27, v25;
	v21 =	vadd.f32 v22, v21;
	v22 =	vmul.f32 v24, v24  }
0x82: {  	v27 =	vadd.s32 v19, v39;
	v36 =	vadd.s32 v6, v39;
	v30 =	vmul.f32 v30, v33;
	v24 =	vld.idx.msk [tilespmem:v35+s13+$0x0], $0xffff  }
0x83: {  	v32 =	vld.idx.msk [tilespmem:v32+s11+$0x0], $0xffff;
	v25 =	vadd.f32 v29, v25;
	v22 =	vadd.f32 v22, v21;
	v29 =	vmul.f32 v33, v33  }
0x84: {  	v40 =	vadd.s32 v20, v39;
	v41 =	vadd.s32 v11, v39;
	v28 =	vmul.f32 v28, v31;
	v34 =	vld.idx.msk [tilespmem:v34+s11+$0x0], $0xffff  }
0x85: {  	v31 =	vmul.f32 v31, v31;
	v21 =	vld.idx.msk [tilespmem:v23+s13+$0x0], $0xffff;
	v23 =	vadd.f32 v30, v25;
	v30 =	vadd.f32 v29, v22  }
0x86: {  	v33 =	vshrl.u32 v38, $0x3;
	v38 =	vadd.s32 v18, v39;
	v25 =	vld.idx.msk [tilespmem:v26+s11+$0x0], $0xffff  }
.Ltmp2:
0x87: {  	v29 =	vadd.s32 v10, v39;
	v22 =	vld.idx.msk [tilespmem:v27+s13+$0x0], $0xffff;
	v42 =	vadd.f32 v28, v23;
	v43 =	vadd.f32 v31, v30;
	(pc) =	sbr.rel @p1 .LBB2_8-.Ltmp2, $4  }
0x88: {  	v35 =	vshll.u32 v33, $0x3;
	v33 =	vadd.s32 v15, v39;
	v26 =	vld.idx.msk [tilespmem:v36+s11+$0x0], $0xffff  }
0x89: {  	v30 =	vadd.s32 v9, v39;
	v32 =	vmul.f32 v32, v24;
	v24 =	vmul.f32 v24, v24;
	v23 =	vld.idx.msk [tilespmem:v40+s13+$0x0], $0xffff  }
0x8a: {  	v28 =	vadd.s32 v7, v39;
	v31 =	vmul.f32 v34, v37;
	v34 =	vadd.s32 v16, v39;
	v27 =	vld.idx.msk [tilespmem:v41+s11+$0x0], $0xffff  }
0x8b: {  	s19 =	sadd.s32 $0x8, s19;
	v37 =	vmul.f32 v37, v37;
	v32 =	vadd.f32 v32, v42;
	v36 =	vadd.f32 v24, v43;
	v24 =	vld.idx.msk [tilespmem:v38+s13+$0x0], $0xffff  }
0x8c: {  	_ = 	snop  }
0x8d: {  	v35 =	vbroadcast v35, $0x0;
	v54 =	vmul.f32 v21, v21;
	v36 =	vadd.f32 v37, v36;
	_ =	sdelay $0x1  }
0x8e: {  	v55 =	vmul.f32 v22, v22;
	v14 =	vor.u32 v14, v35;
	v36 =	vadd.f32 v54, v36  }
0x8f: {  	v33 =	vld.idx.msk [tilespmem:v33+s13+$0x0], $0xffff  }
0x90: {  	v13 =	vadd.s32 v13, v35;
	v56 =	vmul.f32 v23, v23;
	v36 =	vadd.f32 v55, v36  }
0x91: {  	v34 =	vld.idx.msk [tilespmem:v34+s13+$0x0], $0xffff  }
0x92: {  	v17 =	vadd.s32 v17, v35;
	v57 =	vmul.f32 v24, v24;
	v36 =	vadd.f32 v56, v36  }
0x93: {  	v14 =	vld.idx.msk [tilespmem:v14+s13+$0x0], $0xffff  }
0x94: {  	v19 =	vadd.s32 v19, v35;
	v58 =	vmul.f32 v33, v33;
	v36 =	vadd.f32 v57, v36  }
0x95: {  	v13 =	vld.idx.msk [tilespmem:v13+s13+$0x0], $0xffff  }
0x96: {  	v20 =	vadd.s32 v20, v35;
	v59 =	vmul.f32 v34, v34;
	v36 =	vadd.f32 v58, v36  }
0x97: {  	v17 =	vld.idx.msk [tilespmem:v17+s13+$0x0], $0xffff  }
0x98: {  	v18 =	vadd.s32 v18, v35;
	v60 =	vmul.f32 v14, v14;
	v36 =	vadd.f32 v59, v36  }
0x99: {  	v19 =	vld.idx.msk [tilespmem:v19+s13+$0x0], $0xffff  }
0x9a: {  	v15 =	vadd.s32 v15, v35;
	v61 =	vmul.f32 v13, v13;
	v36 =	vadd.f32 v60, v36  }
0x9b: {  	v20 =	vld.idx.msk [tilespmem:v20+s13+$0x0], $0xffff  }
0x9c: {  	v16 =	vadd.s32 v16, v35;
	v62 =	vmul.f32 v17, v17;
	v36 =	vadd.f32 v61, v36  }
0x9d: {  	v18 =	vld.idx.msk [tilespmem:v18+s13+$0x0], $0xffff  }
0x9e: {  	v63 =	vmul.f32 v19, v19;
	v36 =	vadd.f32 v62, v36  }
0x9f: {  	v15 =	vld.idx.msk [tilespmem:v15+s13+$0x0], $0xffff  }
0xa0: {  	v40 =	vmul.f32 v20, v20;
	v36 =	vadd.f32 v63, v36  }
0xa1: {  	v16 =	vld.idx.msk [tilespmem:v16+s13+$0x0], $0xffff  }
0xa2: {  	v41 =	vmul.f32 v18, v18;
	v36 =	vadd.f32 v40, v36;
	_ =	sdelay $0x1  }
0xa3: {  	v42 =	vmul.f32 v15, v15;
	v36 =	vadd.f32 v41, v36;
	_ =	sdelay $0x1  }
0xa4: {  	v43 =	vmul.f32 v16, v16;
	v36 =	vadd.f32 v42, v36;
	_ =	sdelay $0x1  }
0xa5: {  	v36 =	vadd.f32 v43, v36;
	_ =	sdelay $0x1  }
0xa6: {  	v12 =	vmul.f32 v36, v12;
	_ =	sdelay $0x1  }
0xa7: {  	v36 =	vmax.f32 v12, $1.000000000e-30  }
0xa8: {  	v44 =	vshra.s32 v36, $0x1;
	v36 =	vmul.f32 $5.000000000e-01, v36  }
0xa9: {  	v37 =	vsub.s32 $0x5F3759DF, v44  }
0xaa: {  	v38 =	vmul.f32 v37, v36;
	_ =	sdelay $0x1  }
0xab: {  	v38 =	vmul.f32 v37, v38;
	_ =	sdelay $0x1  }
0xac: {  	v38 =	vsub.f32 $1.500000000e+00, v38;
	_ =	sdelay $0x1  }
0xad: {  	v37 =	vmul.f32 v37, v38  }
0xae: {  	v45 =	vmul.f32 v25, v21;
	v46 =	vadd.f32 v31, v32  }
0xaf: {  	v29 =	vld.idx.msk [tilespmem:v29+s11+$0x0], $0xffff;
	v47 =	vmul.f32 v37, v36  }
0xb0: {  	v48 =	vmul.f32 v26, v22;
	v8 =	vor.u32 v8, v35;
	v21 =	vadd.f32 v45, v46  }
0xb1: {  	v49 =	vld.idx.msk [tilespmem:v30+s11+$0x0], $0xffff;
	v50 =	vmul.f32 v47, v37  }
0xb2: {  	v4 =	vadd.s32 v4, v35;
	v51 =	vmul.f32 v27, v23;
	v21 =	vadd.f32 v48, v21  }
0xb3: {  	v52 =	vld.idx.msk [tilespmem:v28+s11+$0x0], $0xffff;
	v26 =	vsub.f32 $1.500000000e+00, v50  }
0xb4: {  	v5 =	vadd.s32 v5, v35;
	v53 =	vmul.f32 v29, v24;
	v21 =	vadd.f32 v51, v21  }
0xb5: {  	v8 =	vld.idx.msk [tilespmem:v8+s11+$0x0], $0xffff;
	v54 =	vmul.f32 v26, v37  }
0xb6: {  	v6 =	vadd.s32 v6, v35;
	v25 =	vmul.f32 v49, v33;
	v21 =	vadd.f32 v53, v21  }
0xb7: {  	v4 =	vld.idx.msk [tilespmem:v4+s11+$0x0], $0xffff;
	v55 =	vmul.f32 v54, v36  }
0xb8: {  	v11 =	vadd.s32 v11, v35;
	v22 =	vmul.f32 v52, v34;
	v21 =	vadd.f32 v25, v21  }
0xb9: {  	v5 =	vld.idx.msk [tilespmem:v5+s11+$0x0], $0xffff;
	v24 =	vmul.f32 v55, v54  }
0xba: {  	v10 =	vadd.s32 v10, v35;
	v8 =	vmul.f32 v8, v14;
	v21 =	vadd.f32 v22, v21  }
0xbb: {  	v6 =	vld.idx.msk [tilespmem:v6+s11+$0x0], $0xffff;
	v56 =	vsub.f32 $1.500000000e+00, v24  }
0xbc: {  	v9 =	vadd.s32 v9, v35;
	v4 =	vmul.f32 v4, v13;
	v8 =	vadd.f32 v8, v21  }
0xbd: {  	v11 =	vld.idx.msk [tilespmem:v11+s11+$0x0], $0xffff;
	v57 =	vmul.f32 v56, v54  }
0xbe: {  	v7 =	vadd.s32 v7, v35;
	v5 =	vmul.f32 v5, v17;
	v4 =	vadd.f32 v4, v8  }
0xbf: {  	v58 =	vld.idx.msk [tilespmem:v10+s11+$0x0], $0xffff;
	v59 =	vmul.f32 v57, v12  }
0xc0: {  	v6 =	vmul.f32 v6, v19;
	v4 =	vadd.f32 v5, v4  }
0xc1: {  	v5 =	vld.idx.msk [tilespmem:v9+s11+$0x0], $0xffff;
	v60 =	vmax.f32 v59, $9.999999930e-09  }
0xc2: {  	v61 =	vmul.f32 v11, v20;
	v4 =	vadd.f32 v6, v4;
	(erf) = vrcp.f32 v60  }
0xc3: {  	v62 =	vld.idx.msk [tilespmem:v7+s11+$0x0], $0xffff  }
0xc4: {  	v63 =	vmul.f32 v58, v18;
	v4 =	vadd.f32 v61, v4;
	_ =	sdelay $0x1  }
0xc5: {  	v5 =	vmul.f32 v5, v15;
	v4 =	vadd.f32 v63, v4;
	_ =	sdelay $0x1  }
0xc6: {  	v6 =	vmul.f32 v62, v16;
	v4 =	vadd.f32 v5, v4;
	_ =	sdelay $0x1  }
0xc7: {  	v4 =	vadd.f32 v6, v4  }
0xc8: {  	s18 =	sadd.s32 $0x1, s18;
	v5 =	vpop (erf)  }
0xc9: {  	p1 =	sne.s32 s18, $0x8;
	v4 =	vmul.f32 v5, v4  }
.Ltmp3:
0xca: {  	_ = 	snop;
	(pc) =	sbr.rel @p1 .LBB2_7-.Ltmp3, $4  }
0xcb: {  	v5 =	vsub.f32 $1.000000000e+00, v4  }
0xcc: {  	v4 =	vmax.f32 v4, $0.0e+00  }
0xcd: {  	v4 =	vpsel p0, v5, v4  }
0xce: {  	v2 =	vadd.f32 v4, v2  }
0xcf: {  	s17 =	sadd.s32 $0x1, s17  }
0xd0: {  	p0 =	sne.s32 s17, $0x28  }
.Ltmp4:
0xd1: {  	_ = 	snop;
	(pc) =	sbr.rel @p0 .LBB2_6-.Ltmp4, $1  }
0xd2: {  	_ =	sdelay $0x3  }
0xd3: {  	v2 =	vmul.f32 $1.220703140e-05, v2;
	s16 =	sadd.s32 $0x1, s16  }
0xd4: {  	p0 =	sne.s32 s16, s8  }
.Ltmp5:
0xd5: {  	[tilespmem:$0x5500] =	vst v2;
	(pc) =	sbr.rel @p0 .LBB2_1-.Ltmp5, $4  }
0xd6: {  	[hbm4b:s7+s2] =	stream.linear.scatter [tilespmem:s15], [sflag:$0x2], $0x10, $0x38;
	[tilespmem:$0x5510] =	vst v63  }
0xd7: {  	_ =	swait.ge [sflag:s9], $0x10  }
0xd8: {  	[sflag:s9] =	ssyncset.done $0x0  }
0xd9: {  	[sflag:s9] =	ssyncadd.s32 $0xFFFFFFF0  }
0xda: {  	_ =	sfence.sel $0x180000  }
0xdb: {  	[bflag:$0x0] =	sbarrier.arrive $0xFFFF  }
0xdc: {  	p0 =	sne.s32 s1, $0x0;
	_ =	strace $0x90000047  }
0xdd: {  	s0 =	sadd.s32 @!p0 $0x100000, s0;
	[bflag:$0x2] =	sbarrier.arrive $0xFFFF  }
0xde: {  	[sflag:s0] =	ssyncadd.tile.s32 @!p0 $0x1;
	_ =	shalt  }
.Lfunc_end2:
_tile_overlayer_lowered:
.L_overlay_start_2:
0xdf: {  	(tag) =	ssettag $0x2  }
0xe0: {  	s0 =	rddreg [dreg:$0x0];
	s2 =	stileid.u32  }
0xe1: {  	s1 =	rddreg [dreg:$0x1];
	p0 =	sne.s32 s2, $0x0  }
0xe2: {  	s3 =	rddreg [dreg:$0x2];
	[bflag:$0x3] =	sbarrier.arrive $0xFFFF;
	s2 =	simm.s32 @!p0 $0x1C02  }
0xe3: {  	[timem:s3], [sflag:s2] =	dma.local @!p0 [hbm:s0], s1  }
0xe4: {  	s0 =	simm.s32 @!p0 $0x2  }
0xe5: {  	_ =	swait.ge @!p0 [sflag:s0], s1  }
0xe6: {  	s1 =	ssub.s32 @!p0 $0x0, s1;
	[sflag:s0] =	ssyncset.done @!p0 $0x0  }
0xe7: {  	[sflag:s0] =	ssyncadd.s32 @!p0 s1  }
0xe8: {  	[bflag:$0x3] =	sbarrier.arrive $0xFFFF  }
0xe9: {  	_ =	shalt  }

</sc_bundles>
